<compile_context>
chip_gen: v7x
topology: tpu7x:2x2x1
jax: 0.10.2.dev20260603
libtpu: 0.0.44.dev20260713+nightly
codegen_flags: <defaults>
</compile_context>

<pallas_src>
import functools
import jax
import jax.numpy as jnp
from jax import lax
from jax.experimental import pallas as pl
from jax.experimental.pallas import tpu as pltpu
from jax.experimental.pallas import tpu_sc as plsc

_PADDING_IDX = 0
_NC = 2
_NS = 16
_NW = _NC * _NS


def kernel(src, table):
    seq_len, batch = src.shape
    max_len, hidden = table.shape

    rows_per_w = seq_len // _NW
    sizes = [56, 56, 56, 56, 32]
    offs = [0, 56, 112, 168, 224]
    n_chunks = len(sizes)
    nbuf = 2
    bufrows = max(sizes)

    mesh = plsc.VectorSubcoreMesh(core_axis_name="c", subcore_axis_name="s")

    @functools.partial(
        pl.kernel,
        mesh=mesh,
        out_type=jax.ShapeDtypeStruct((seq_len, batch, hidden), jnp.float32),
        scratch_types=[
            [pltpu.VMEM((bufrows, hidden), jnp.float32) for _ in range(nbuf)],
            pltpu.SemaphoreType.DMA,
            [pltpu.SemaphoreType.DMA for _ in range(nbuf)],
        ],
    )
    def k(table_hbm, out_hbm, bufs, rsem, wsems):
        c = lax.axis_index("c")
        s = lax.axis_index("s")
        wid = s * _NC + c
        base = wid * rows_per_w

        def read(j):
            r0 = base + offs[j]
            return pltpu.async_copy(
                table_hbm.at[pl.ds(r0, sizes[j])],
                bufs[j % nbuf].at[pl.ds(0, sizes[j])],
                rsem,
            )

        def write(j):
            r0 = base + offs[j]
            return [
                pltpu.async_copy(
                    bufs[j % nbuf].at[pl.ds(0, sizes[j])],
                    out_hbm.at[pl.ds(r0, sizes[j]), b],
                    wsems[j % nbuf],
                )
                for b in range(batch)
            ]

        writes = [None] * n_chunks
        reads = [read(0)]
        for j in range(n_chunks):
            reads[j].wait()

            if j == 0:
                @pl.when(wid == 0)
                def _():
                    def zb(i, carry):
                        bufs[0][0, pl.ds(i * 16, 16)] = jnp.zeros(
                            (16,), jnp.float32
                        )
                        return carry
                    lax.fori_loop(0, hidden // 16, zb, 0)

            if j + 1 < n_chunks:
                if j - (nbuf - 1) >= 0:
                    for w in writes[j - (nbuf - 1)]:
                        w.wait()
                reads.append(read(j + 1))
            writes[j] = write(j)

        for j in range(max(0, n_chunks - nbuf), n_chunks):
            for w in writes[j]:
                w.wait()

    return k(table)

# --- scband reference (transcript-rebuilt; emitter-appended) ---
"""Pipeline reference for scband-learned-positional-embedding-36404142801135 (READ-ONLY COPY).

The authoritative reference and input builder live on the scoring server;
editing this copy changes nothing except your own understanding.
"""

import jax, jax.numpy as jnp
import numpy as np

MAX_LEN = 8192
HIDDEN = 1024
PADDING_IDX = 0
SEQ_LEN = 8192
BATCH = 4


def setup_inputs(seed: int = 0) -> dict:
    key = jax.random.key(seed)
    k_src, k_tab = jax.random.split(key)
    # src is only used for its shape/device in the original module; values are token ids
    src = jax.random.randint(k_src, (SEQ_LEN, BATCH), 0, MAX_LEN, dtype=jnp.int64)
    # learned positional embedding table (nn.Embedding weight)
    table = jax.random.normal(k_tab, (MAX_LEN, HIDDEN), dtype=jnp.float32)
    return {"src": src, "table": table}


def reference(src, table):
    input_shape = src.shape
    seq_len = input_shape[0]
    position_ids = jnp.broadcast_to(jnp.arange(seq_len, dtype=jnp.int32)[:, None], input_shape)
    # nn.Embedding with padding_idx zeros that row of the table
    table_masked = table.at[PADDING_IDX].set(0.0)
    position_embeddings = jnp.take(table_masked, position_ids, axis=0)
    return position_embeddings

if __name__ == "__main__":
    import jax
    _d = setup_inputs()
    print(jax.jit(kernel)(*tuple(_d.values())))

</pallas_src>

<mosaic_0001>
#map = affine_map<(d0, d1) -> (0, 0)>
#map1 = affine_map<(d0, d1) -> (0, 0, 0)>
module attributes {stable_mosaic.version = 14 : i64} {
  func.func @k(%arg0: i32, %arg1: i32, %arg2: memref<8192x1024xf32, #tpu.memory_space<hbm>>, %arg3: memref<8192x4x1024xf32, #tpu.memory_space<hbm>>, %arg4: memref<56x1024xf32, #tpu.memory_space<vmem>>, %arg5: memref<56x1024xf32, #tpu.memory_space<vmem>>, %arg6: memref<!tpu.dma_semaphore, #tpu.memory_space<semaphore_mem>>, %arg7: memref<!tpu.dma_semaphore, #tpu.memory_space<semaphore_mem>>, %arg8: memref<!tpu.dma_semaphore, #tpu.memory_space<semaphore_mem>>) attributes {dimension_semantics = [#tpu.dimension_semantics<core_parallel>, #tpu.dimension_semantics<subcore_parallel>], iteration_bounds = array<i64: 2, 16>, scalar_prefetch = 0 : i64, scratch_operands = 5 : i64, tpu.core_type = #tpu.core_type<sc_vector_subcore>, window_params = [{transform_indices = #map}, {transform_indices = #map1}]} {
    %mul3A = arith.constant 2 : i32
    %mul3A_0 = arith.muli %arg1, %mul3A : i32
    %add3A = arith.addi %mul3A_0, %arg0 : i32
    %mul3A_1 = arith.constant 256 : i32
    %mul3A_2 = arith.muli %add3A, %mul3A_1 : i32
    %add3A_3 = arith.constant 0 : i32
    %add3A_4 = arith.addi %mul3A_2, %add3A_3 : i32
    %dma_start3A = arith.constant 0 : i32
    %dma_start3A_5 = arith.constant 0 : i32
    %dma_start3A_6 = tpu.memref_slice %arg4[%dma_start3A, %dma_start3A_5] : memref<56x1024xf32, #tpu.memory_space<vmem>> -> memref<56x1024xf32, #tpu.memory_space<vmem>>
    %dma_start3A_7 = arith.constant 0 : i32
    %dma_start3A_8 = tpu.memref_slice %arg2[%add3A_4, %dma_start3A_7] : memref<8192x1024xf32, #tpu.memory_space<hbm>> -> memref<56x1024xf32, #tpu.memory_space<hbm>>
    %dma_start3A_9 = arith.constant 0 : i32
    %dma_start3A_10 = arith.constant 0 : i32
    %dma_start3A_11 = tpu.memref_slice %arg4[%dma_start3A_9, %dma_start3A_10] : memref<56x1024xf32, #tpu.memory_space<vmem>> -> memref<56x1024xf32, #tpu.memory_space<vmem>>
    %dma_start3A_12 = arith.constant 0 : i32
    %dma_start3A_13 = tpu.memref_slice %arg2[%add3A_4, %dma_start3A_12] : memref<8192x1024xf32, #tpu.memory_space<hbm>> -> memref<56x1024xf32, #tpu.memory_space<hbm>>
    tpu.enqueue_dma source(%dma_start3A_13 : memref<56x1024xf32, #tpu.memory_space<hbm>>) target(%dma_start3A_11 : memref<56x1024xf32, #tpu.memory_space<vmem>>) target_semaphore(%arg6 : memref<!tpu.dma_semaphore, #tpu.memory_space<semaphore_mem>>)
    %dma_wait3A = arith.constant 0 : i32
    %dma_wait3A_14 = arith.constant 0 : i32
    %dma_wait3A_15 = tpu.memref_slice %arg4[%dma_wait3A, %dma_wait3A_14] : memref<56x1024xf32, #tpu.memory_space<vmem>> -> memref<56x1024xf32, #tpu.memory_space<vmem>>
    %dma_wait3A_16 = arith.constant 0 : i32
    %dma_wait3A_17 = tpu.memref_slice %arg2[%add3A_4, %dma_wait3A_16] : memref<8192x1024xf32, #tpu.memory_space<hbm>> -> memref<56x1024xf32, #tpu.memory_space<hbm>>
    %dma_wait3A_18 = arith.constant 0 : i32
    %dma_wait3A_19 = arith.constant 0 : i32
    %dma_wait3A_20 = tpu.memref_slice %arg4[%dma_wait3A_18, %dma_wait3A_19] : memref<56x1024xf32, #tpu.memory_space<vmem>> -> memref<56x1024xf32, #tpu.memory_space<vmem>>
    %dma_wait3A_21 = arith.constant 0 : i32
    %dma_wait3A_22 = tpu.memref_slice %arg2[%add3A_4, %dma_wait3A_21] : memref<8192x1024xf32, #tpu.memory_space<hbm>> -> memref<56x1024xf32, #tpu.memory_space<hbm>>
    tpu.wait_dma2 semaphore(%arg6 : memref<!tpu.dma_semaphore, #tpu.memory_space<semaphore_mem>>) src(%dma_wait3A_22 : memref<56x1024xf32, #tpu.memory_space<hbm>>) dst(%dma_wait3A_20 : memref<56x1024xf32, #tpu.memory_space<vmem>>)
    %eq3A = arith.constant 0 : i32
    %eq3A_23 = arith.cmpi eq, %add3A, %eq3A : i32
    %convert_element_type3A = arith.extui %eq3A_23 : i1 to i32
    %cond3A = arith.constant 0 : i32
    %cond3A_24 = arith.cmpi ne, %convert_element_type3A, %cond3A : i32
    scf.if %cond3A_24 {
      %scan3A = arith.constant 0 : i32
      %scan3A_643 = arith.constant 0 : i32
      %scan3A_644 = arith.constant 64 : i32
      %scan3A_645 = arith.addi %scan3A_643, %scan3A_644 : i32
      %scan3A_646 = arith.constant 1 : i32
      scf.for %scan3A_648 = %scan3A_643 to %scan3A_645 step %scan3A_646  : i32 {
        %broadcast_in_dim3A = arith.constant 0.000000e+00 : f32
        %broadcast_in_dim3A_649 = vector.broadcast %broadcast_in_dim3A : f32 to vector<16xf32>
        %mul3A_650 = arith.constant 16 : i32
        %mul3A_651 = arith.muli %scan3A_648, %mul3A_650 : i32
        %swap3A = arith.constant 0 : i32
        %swap3A_652 = arith.index_cast %swap3A : i32 to index
        %swap3A_653 = arith.index_cast %mul3A_651 : i32 to index
        %swap3A_654 = tpu.vector_load %arg4[%swap3A_652, %swap3A_653] {strides = array<i32>} : memref<56x1024xf32, #tpu.memory_space<vmem>>, vector<1x16xf32>,
        %swap3A_655 = vector.shape_cast %swap3A_654 : vector<1x16xf32> to vector<16xf32>
        %swap3A_656 = vector.shape_cast %broadcast_in_dim3A_649 : vector<16xf32> to vector<1x16xf32>
        tpu.vector_store %arg4[%swap3A_652, %swap3A_653], %swap3A_656 {strides = array<i32>} : memref<56x1024xf32, #tpu.memory_space<vmem>>, vector<1x16xf32>,
      }
      %scan3A_647 = arith.constant 64 : i32
    } else {
    }
    %add3A_25 = arith.constant 56 : i32
    %add3A_26 = arith.addi %mul3A_2, %add3A_25 : i32
    %dma_start3A_27 = arith.constant 0 : i32
    %dma_start3A_28 = arith.constant 0 : i32
    %dma_start3A_29 = tpu.memref_slice %arg5[%dma_start3A_27, %dma_start3A_28] : memref<56x1024xf32, #tpu.memory_space<vmem>> -> memref<56x1024xf32, #tpu.memory_space<vmem>>
    %dma_start3A_30 = arith.constant 0 : i32
    %dma_start3A_31 = tpu.memref_slice %arg2[%add3A_26, %dma_start3A_30] : memref<8192x1024xf32, #tpu.memory_space<hbm>> -> memref<56x1024xf32, #tpu.memory_space<hbm>>
    %dma_start3A_32 = arith.constant 0 : i32
    %dma_start3A_33 = arith.constant 0 : i32
    %dma_start3A_34 = tpu.memref_slice %arg5[%dma_start3A_32, %dma_start3A_33] : memref<56x1024xf32, #tpu.memory_space<vmem>> -> memref<56x1024xf32, #tpu.memory_space<vmem>>
    %dma_start3A_35 = arith.constant 0 : i32
    %dma_start3A_36 = tpu.memref_slice %arg2[%add3A_26, %dma_start3A_35] : memref<8192x1024xf32, #tpu.memory_space<hbm>> -> memref<56x1024xf32, #tpu.memory_space<hbm>>
    tpu.enqueue_dma source(%dma_start3A_36 : memref<56x1024xf32, #tpu.memory_space<hbm>>) target(%dma_start3A_34 : memref<56x1024xf32, #tpu.memory_space<vmem>>) target_semaphore(%arg6 : memref<!tpu.dma_semaphore, #tpu.memory_space<semaphore_mem>>)
    %add3A_37 = arith.constant 0 : i32
    %add3A_38 = arith.addi %mul3A_2, %add3A_37 : i32
    %dma_start3A_39 = arith.constant 0 : i32
    %dma_start3A_40 = arith.constant 0 : i32
    %dma_start3A_41 = arith.constant 0 : i32
    %dma_start3A_42 = tpu.memref_slice %arg4[%dma_start3A_40, %dma_start3A_41] : memref<56x1024xf32, #tpu.memory_space<vmem>> -> memref<56x1024xf32, #tpu.memory_space<vmem>>
    %dma_start3A_43 = arith.constant 0 : i32
    %dma_start3A_44 = tpu.memref_slice %arg3[%add3A_38, %dma_start3A_39, %dma_start3A_43] : memref<8192x4x1024xf32, #tpu.memory_space<hbm>> -> memref<56x1x1024xf32, #tpu.memory_space<hbm>>
    %dma_start3A_45 = tpu.memref_squeeze %dma_start3A_44 : memref<56x1x1024xf32, #tpu.memory_space<hbm>> -> memref<56x1024xf32, #tpu.memory_space<hbm>>
    %dma_start3A_46 = arith.constant 0 : i32
    %dma_start3A_47 = tpu.memref_slice %arg3[%add3A_38, %dma_start3A_39, %dma_start3A_46] : memref<8192x4x1024xf32, #tpu.memory_space<hbm>> -> memref<56x1x1024xf32, #tpu.memory_space<hbm>>
    %dma_start3A_48 = tpu.memref_squeeze %dma_start3A_47 : memref<56x1x1024xf32, #tpu.memory_space<hbm>> -> memref<56x1024xf32, #tpu.memory_space<hbm>>
    %dma_start3A_49 = arith.constant 0 : i32
    %dma_start3A_50 = arith.constant 0 : i32
    %dma_start3A_51 = tpu.memref_slice %arg4[%dma_start3A_49, %dma_start3A_50] : memref<56x1024xf32, #tpu.memory_space<vmem>> -> memref<56x1024xf32, #tpu.memory_space<vmem>>
    tpu.enqueue_dma source(%dma_start3A_51 : memref<56x1024xf32, #tpu.memory_space<vmem>>) target(%dma_start3A_48 : memref<56x1024xf32, #tpu.memory_space<hbm>>) target_semaphore(%arg7 : memref<!tpu.dma_semaphore, #tpu.memory_space<semaphore_mem>>)
    %dma_start3A_52 = arith.constant 1 : i32
    %dma_start3A_53 = arith.constant 0 : i32
    %dma_start3A_54 = arith.constant 0 : i32
    %dma_start3A_55 = tpu.memref_slice %arg4[%dma_start3A_53, %dma_start3A_54] : memref<56x1024xf32, #tpu.memory_space<vmem>> -> memref<56x1024xf32, #tpu.memory_space<vmem>>
    %dma_start3A_56 = arith.constant 0 : i32
    %dma_start3A_57 = tpu.memref_slice %arg3[%add3A_38, %dma_start3A_52, %dma_start3A_56] : memref<8192x4x1024xf32, #tpu.memory_space<hbm>> -> memref<56x1x1024xf32, #tpu.memory_space<hbm>>
    %dma_start3A_58 = tpu.memref_squeeze %dma_start3A_57 : memref<56x1x1024xf32, #tpu.memory_space<hbm>> -> memref<56x1024xf32, #tpu.memory_space<hbm>>
    %dma_start3A_59 = arith.constant 0 : i32
    %dma_start3A_60 = tpu.memref_slice %arg3[%add3A_38, %dma_start3A_52, %dma_start3A_59] : memref<8192x4x1024xf32, #tpu.memory_space<hbm>> -> memref<56x1x1024xf32, #tpu.memory_space<hbm>>
    %dma_start3A_61 = tpu.memref_squeeze %dma_start3A_60 : memref<56x1x1024xf32, #tpu.memory_space<hbm>> -> memref<56x1024xf32, #tpu.memory_space<hbm>>
    %dma_start3A_62 = arith.constant 0 : i32
    %dma_start3A_63 = arith.constant 0 : i32
    %dma_start3A_64 = tpu.memref_slice %arg4[%dma_start3A_62, %dma_start3A_63] : memref<56x1024xf32, #tpu.memory_space<vmem>> -> memref<56x1024xf32, #tpu.memory_space<vmem>>
    tpu.enqueue_dma source(%dma_start3A_64 : memref<56x1024xf32, #tpu.memory_space<vmem>>) target(%dma_start3A_61 : memref<56x1024xf32, #tpu.memory_space<hbm>>) target_semaphore(%arg7 : memref<!tpu.dma_semaphore, #tpu.memory_space<semaphore_mem>>)
    %dma_start3A_65 = arith.constant 2 : i32
    %dma_start3A_66 = arith.constant 0 : i32
    %dma_start3A_67 = arith.constant 0 : i32
    %dma_start3A_68 = tpu.memref_slice %arg4[%dma_start3A_66, %dma_start3A_67] : memref<56x1024xf32, #tpu.memory_space<vmem>> -> memref<56x1024xf32, #tpu.memory_space<vmem>>
    %dma_start3A_69 = arith.constant 0 : i32
    %dma_start3A_70 = tpu.memref_slice %arg3[%add3A_38, %dma_start3A_65, %dma_start3A_69] : memref<8192x4x1024xf32, #tpu.memory_space<hbm>> -> memref<56x1x1024xf32, #tpu.memory_space<hbm>>
    %dma_start3A_71 = tpu.memref_squeeze %dma_start3A_70 : memref<56x1x1024xf32, #tpu.memory_space<hbm>> -> memref<56x1024xf32, #tpu.memory_space<hbm>>
    %dma_start3A_72 = arith.constant 0 : i32
    %dma_start3A_73 = tpu.memref_slice %arg3[%add3A_38, %dma_start3A_65, %dma_start3A_72] : memref<8192x4x1024xf32, #tpu.memory_space<hbm>> -> memref<56x1x1024xf32, #tpu.memory_space<hbm>>
    %dma_start3A_74 = tpu.memref_squeeze %dma_start3A_73 : memref<56x1x1024xf32, #tpu.memory_space<hbm>> -> memref<56x1024xf32, #tpu.memory_space<hbm>>
    %dma_start3A_75 = arith.constant 0 : i32
    %dma_start3A_76 = arith.constant 0 : i32
    %dma_start3A_77 = tpu.memref_slice %arg4[%dma_start3A_75, %dma_start3A_76] : memref<56x1024xf32, #tpu.memory_space<vmem>> -> memref<56x1024xf32, #tpu.memory_space<vmem>>
    tpu.enqueue_dma source(%dma_start3A_77 : memref<56x1024xf32, #tpu.memory_space<vmem>>) target(%dma_start3A_74 : memref<56x1024xf32, #tpu.memory_space<hbm>>) target_semaphore(%arg7 : memref<!tpu.dma_semaphore, #tpu.memory_space<semaphore_mem>>)
    %dma_start3A_78 = arith.constant 3 : i32
    %dma_start3A_79 = arith.constant 0 : i32
    %dma_start3A_80 = arith.constant 0 : i32
    %dma_start3A_81 = tpu.memref_slice %arg4[%dma_start3A_79, %dma_start3A_80] : memref<56x1024xf32, #tpu.memory_space<vmem>> -> memref<56x1024xf32, #tpu.memory_space<vmem>>
    %dma_start3A_82 = arith.constant 0 : i32
    %dma_start3A_83 = tpu.memref_slice %arg3[%add3A_38, %dma_start3A_78, %dma_start3A_82] : memref<8192x4x1024xf32, #tpu.memory_space<hbm>> -> memref<56x1x1024xf32, #tpu.memory_space<hbm>>
    %dma_start3A_84 = tpu.memref_squeeze %dma_start3A_83 : memref<56x1x1024xf32, #tpu.memory_space<hbm>> -> memref<56x1024xf32, #tpu.memory_space<hbm>>
    %dma_start3A_85 = arith.constant 0 : i32
    %dma_start3A_86 = tpu.memref_slice %arg3[%add3A_38, %dma_start3A_78, %dma_start3A_85] : memref<8192x4x1024xf32, #tpu.memory_space<hbm>> -> memref<56x1x1024xf32, #tpu.memory_space<hbm>>
    %dma_start3A_87 = tpu.memref_squeeze %dma_start3A_86 : memref<56x1x1024xf32, #tpu.memory_space<hbm>> -> memref<56x1024xf32, #tpu.memory_space<hbm>>
    %dma_start3A_88 = arith.constant 0 : i32
    %dma_start3A_89 = arith.constant 0 : i32
    %dma_start3A_90 = tpu.memref_slice %arg4[%dma_start3A_88, %dma_start3A_89] : memref<56x1024xf32, #tpu.memory_space<vmem>> -> memref<56x1024xf32, #tpu.memory_space<vmem>>
    tpu.enqueue_dma source(%dma_start3A_90 : memref<56x1024xf32, #tpu.memory_space<vmem>>) target(%dma_start3A_87 : memref<56x1024xf32, #tpu.memory_space<hbm>>) target_semaphore(%arg7 : memref<!tpu.dma_semaphore, #tpu.memory_space<semaphore_mem>>)
    %dma_wait3A_91 = arith.constant 0 : i32
    %dma_wait3A_92 = arith.constant 0 : i32
    %dma_wait3A_93 = tpu.memref_slice %arg5[%dma_wait3A_91, %dma_wait3A_92] : memref<56x1024xf32, #tpu.memory_space<vmem>> -> memref<56x1024xf32, #tpu.memory_space<vmem>>
    %dma_wait3A_94 = arith.constant 0 : i32
    %dma_wait3A_95 = tpu.memref_slice %arg2[%add3A_26, %dma_wait3A_94] : memref<8192x1024xf32, #tpu.memory_space<hbm>> -> memref<56x1024xf32, #tpu.memory_space<hbm>>
    %dma_wait3A_96 = arith.constant 0 : i32
    %dma_wait3A_97 = arith.constant 0 : i32
    %dma_wait3A_98 = tpu.memref_slice %arg5[%dma_wait3A_96, %dma_wait3A_97] : memref<56x1024xf32, #tpu.memory_space<vmem>> -> memref<56x1024xf32, #tpu.memory_space<vmem>>
    %dma_wait3A_99 = arith.constant 0 : i32
    %dma_wait3A_100 = tpu.memref_slice %arg2[%add3A_26, %dma_wait3A_99] : memref<8192x1024xf32, #tpu.memory_space<hbm>> -> memref<56x1024xf32, #tpu.memory_space<hbm>>
    tpu.wait_dma2 semaphore(%arg6 : memref<!tpu.dma_semaphore, #tpu.memory_space<semaphore_mem>>) src(%dma_wait3A_100 : memref<56x1024xf32, #tpu.memory_space<hbm>>) dst(%dma_wait3A_98 : memref<56x1024xf32, #tpu.memory_space<vmem>>)
    %dma_wait3A_101 = arith.constant 0 : i32
    %dma_wait3A_102 = arith.constant 0 : i32
    %dma_wait3A_103 = arith.constant 0 : i32
    %dma_wait3A_104 = tpu.memref_slice %arg4[%dma_wait3A_102, %dma_wait3A_103] : memref<56x1024xf32, #tpu.memory_space<vmem>> -> memref<56x1024xf32, #tpu.memory_space<vmem>>
    %dma_wait3A_105 = arith.constant 0 : i32
    %dma_wait3A_106 = tpu.memref_slice %arg3[%add3A_38, %dma_wait3A_101, %dma_wait3A_105] : memref<8192x4x1024xf32, #tpu.memory_space<hbm>> -> memref<56x1x1024xf32, #tpu.memory_space<hbm>>
    %dma_wait3A_107 = tpu.memref_squeeze %dma_wait3A_106 : memref<56x1x1024xf32, #tpu.memory_space<hbm>> -> memref<56x1024xf32, #tpu.memory_space<hbm>>
    %dma_wait3A_108 = arith.constant 0 : i32
    %dma_wait3A_109 = tpu.memref_slice %arg3[%add3A_38, %dma_wait3A_101, %dma_wait3A_108] : memref<8192x4x1024xf32, #tpu.memory_space<hbm>> -> memref<56x1x1024xf32, #tpu.memory_space<hbm>>
    %dma_wait3A_110 = tpu.memref_squeeze %dma_wait3A_109 : memref<56x1x1024xf32, #tpu.memory_space<hbm>> -> memref<56x1024xf32, #tpu.memory_space<hbm>>
    %dma_wait3A_111 = arith.constant 0 : i32
    %dma_wait3A_112 = arith.constant 0 : i32
    %dma_wait3A_113 = tpu.memref_slice %arg4[%dma_wait3A_111, %dma_wait3A_112] : memref<56x1024xf32, #tpu.memory_space<vmem>> -> memref<56x1024xf32, #tpu.memory_space<vmem>>
    tpu.wait_dma2 semaphore(%arg7 : memref<!tpu.dma_semaphore, #tpu.memory_space<semaphore_mem>>) src(%dma_wait3A_113 : memref<56x1024xf32, #tpu.memory_space<vmem>>) dst(%dma_wait3A_110 : memref<56x1024xf32, #tpu.memory_space<hbm>>)
    %dma_wait3A_114 = arith.constant 1 : i32
    %dma_wait3A_115 = arith.constant 0 : i32
    %dma_wait3A_116 = arith.constant 0 : i32
    %dma_wait3A_117 = tpu.memref_slice %arg4[%dma_wait3A_115, %dma_wait3A_116] : memref<56x1024xf32, #tpu.memory_space<vmem>> -> memref<56x1024xf32, #tpu.memory_space<vmem>>
    %dma_wait3A_118 = arith.constant 0 : i32
    %dma_wait3A_119 = tpu.memref_slice %arg3[%add3A_38, %dma_wait3A_114, %dma_wait3A_118] : memref<8192x4x1024xf32, #tpu.memory_space<hbm>> -> memref<56x1x1024xf32, #tpu.memory_space<hbm>>
    %dma_wait3A_120 = tpu.memref_squeeze %dma_wait3A_119 : memref<56x1x1024xf32, #tpu.memory_space<hbm>> -> memref<56x1024xf32, #tpu.memory_space<hbm>>
    %dma_wait3A_121 = arith.constant 0 : i32
    %dma_wait3A_122 = tpu.memref_slice %arg3[%add3A_38, %dma_wait3A_114, %dma_wait3A_121] : memref<8192x4x1024xf32, #tpu.memory_space<hbm>> -> memref<56x1x1024xf32, #tpu.memory_space<hbm>>
    %dma_wait3A_123 = tpu.memref_squeeze %dma_wait3A_122 : memref<56x1x1024xf32, #tpu.memory_space<hbm>> -> memref<56x1024xf32, #tpu.memory_space<hbm>>
    %dma_wait3A_124 = arith.constant 0 : i32
    %dma_wait3A_125 = arith.constant 0 : i32
    %dma_wait3A_126 = tpu.memref_slice %arg4[%dma_wait3A_124, %dma_wait3A_125] : memref<56x1024xf32, #tpu.memory_space<vmem>> -> memref<56x1024xf32, #tpu.memory_space<vmem>>
    tpu.wait_dma2 semaphore(%arg7 : memref<!tpu.dma_semaphore, #tpu.memory_space<semaphore_mem>>) src(%dma_wait3A_126 : memref<56x1024xf32, #tpu.memory_space<vmem>>) dst(%dma_wait3A_123 : memref<56x1024xf32, #tpu.memory_space<hbm>>)
    %dma_wait3A_127 = arith.constant 2 : i32
    %dma_wait3A_128 = arith.constant 0 : i32
    %dma_wait3A_129 = arith.constant 0 : i32
    %dma_wait3A_130 = tpu.memref_slice %arg4[%dma_wait3A_128, %dma_wait3A_129] : memref<56x1024xf32, #tpu.memory_space<vmem>> -> memref<56x1024xf32, #tpu.memory_space<vmem>>
    %dma_wait3A_131 = arith.constant 0 : i32
    %dma_wait3A_132 = tpu.memref_slice %arg3[%add3A_38, %dma_wait3A_127, %dma_wait3A_131] : memref<8192x4x1024xf32, #tpu.memory_space<hbm>> -> memref<56x1x1024xf32, #tpu.memory_space<hbm>>
    %dma_wait3A_133 = tpu.memref_squeeze %dma_wait3A_132 : memref<56x1x1024xf32, #tpu.memory_space<hbm>> -> memref<56x1024xf32, #tpu.memory_space<hbm>>
    %dma_wait3A_134 = arith.constant 0 : i32
    %dma_wait3A_135 = tpu.memref_slice %arg3[%add3A_38, %dma_wait3A_127, %dma_wait3A_134] : memref<8192x4x1024xf32, #tpu.memory_space<hbm>> -> memref<56x1x1024xf32, #tpu.memory_space<hbm>>
    %dma_wait3A_136 = tpu.memref_squeeze %dma_wait3A_135 : memref<56x1x1024xf32, #tpu.memory_space<hbm>> -> memref<56x1024xf32, #tpu.memory_space<hbm>>
    %dma_wait3A_137 = arith.constant 0 : i32
    %dma_wait3A_138 = arith.constant 0 : i32
    %dma_wait3A_139 = tpu.memref_slice %arg4[%dma_wait3A_137, %dma_wait3A_138] : memref<56x1024xf32, #tpu.memory_space<vmem>> -> memref<56x1024xf32, #tpu.memory_space<vmem>>
    tpu.wait_dma2 semaphore(%arg7 : memref<!tpu.dma_semaphore, #tpu.memory_space<semaphore_mem>>) src(%dma_wait3A_139 : memref<56x1024xf32, #tpu.memory_space<vmem>>) dst(%dma_wait3A_136 : memref<56x1024xf32, #tpu.memory_space<hbm>>)
    %dma_wait3A_140 = arith.constant 3 : i32
    %dma_wait3A_141 = arith.constant 0 : i32
    %dma_wait3A_142 = arith.constant 0 : i32
    %dma_wait3A_143 = tpu.memref_slice %arg4[%dma_wait3A_141, %dma_wait3A_142] : memref<56x1024xf32, #tpu.memory_space<vmem>> -> memref<56x1024xf32, #tpu.memory_space<vmem>>
    %dma_wait3A_144 = arith.constant 0 : i32
    %dma_wait3A_145 = tpu.memref_slice %arg3[%add3A_38, %dma_wait3A_140, %dma_wait3A_144] : memref<8192x4x1024xf32, #tpu.memory_space<hbm>> -> memref<56x1x1024xf32, #tpu.memory_space<hbm>>
    %dma_wait3A_146 = tpu.memref_squeeze %dma_wait3A_145 : memref<56x1x1024xf32, #tpu.memory_space<hbm>> -> memref<56x1024xf32, #tpu.memory_space<hbm>>
    %dma_wait3A_147 = arith.constant 0 : i32
    %dma_wait3A_148 = tpu.memref_slice %arg3[%add3A_38, %dma_wait3A_140, %dma_wait3A_147] : memref<8192x4x1024xf32, #tpu.memory_space<hbm>> -> memref<56x1x1024xf32, #tpu.memory_space<hbm>>
    %dma_wait3A_149 = tpu.memref_squeeze %dma_wait3A_148 : memref<56x1x1024xf32, #tpu.memory_space<hbm>> -> memref<56x1024xf32, #tpu.memory_space<hbm>>
    %dma_wait3A_150 = arith.constant 0 : i32
    %dma_wait3A_151 = arith.constant 0 : i32
    %dma_wait3A_152 = tpu.memref_slice %arg4[%dma_wait3A_150, %dma_wait3A_151] : memref<56x1024xf32, #tpu.memory_space<vmem>> -> memref<56x1024xf32, #tpu.memory_space<vmem>>
    tpu.wait_dma2 semaphore(%arg7 : memref<!tpu.dma_semaphore, #tpu.memory_space<semaphore_mem>>) src(%dma_wait3A_152 : memref<56x1024xf32, #tpu.memory_space<vmem>>) dst(%dma_wait3A_149 : memref<56x1024xf32, #tpu.memory_space<hbm>>)
    %add3A_153 = arith.constant 112 : i32
    %add3A_154 = arith.addi %mul3A_2, %add3A_153 : i32
    %dma_start3A_155 = arith.constant 0 : i32
    %dma_start3A_156 = arith.constant 0 : i32
    %dma_start3A_157 = tpu.memref_slice %arg4[%dma_start3A_155, %dma_start3A_156] : memref<56x1024xf32, #tpu.memory_space<vmem>> -> memref<56x1024xf32, #tpu.memory_space<vmem>>
    %dma_start3A_158 = arith.constant 0 : i32
    %dma_start3A_159 = tpu.memref_slice %arg2[%add3A_154, %dma_start3A_158] : memref<8192x1024xf32, #tpu.memory_space<hbm>> -> memref<56x1024xf32, #tpu.memory_space<hbm>>
    %dma_start3A_160 = arith.constant 0 : i32
    %dma_start3A_161 = arith.constant 0 : i32
    %dma_start3A_162 = tpu.memref_slice %arg4[%dma_start3A_160, %dma_start3A_161] : memref<56x1024xf32, #tpu.memory_space<vmem>> -> memref<56x1024xf32, #tpu.memory_space<vmem>>
    %dma_start3A_163 = arith.constant 0 : i32
    %dma_start3A_164 = tpu.memref_slice %arg2[%add3A_154, %dma_start3A_163] : memref<8192x1024xf32, #tpu.memory_space<hbm>> -> memref<56x1024xf32, #tpu.memory_space<hbm>>
    tpu.enqueue_dma source(%dma_start3A_164 : memref<56x1024xf32, #tpu.memory_space<hbm>>) target(%dma_start3A_162 : memref<56x1024xf32, #tpu.memory_space<vmem>>) target_semaphore(%arg6 : memref<!tpu.dma_semaphore, #tpu.memory_space<semaphore_mem>>)
    %add3A_165 = arith.constant 56 : i32
    %add3A_166 = arith.addi %mul3A_2, %add3A_165 : i32
    %dma_start3A_167 = arith.constant 0 : i32
    %dma_start3A_168 = arith.constant 0 : i32
    %dma_start3A_169 = arith.constant 0 : i32
    %dma_start3A_170 = tpu.memref_slice %arg5[%dma_start3A_168, %dma_start3A_169] : memref<56x1024xf32, #tpu.memory_space<vmem>> -> memref<56x1024xf32, #tpu.memory_space<vmem>>
    %dma_start3A_171 = arith.constant 0 : i32
    %dma_start3A_172 = tpu.memref_slice %arg3[%add3A_166, %dma_start3A_167, %dma_start3A_171] : memref<8192x4x1024xf32, #tpu.memory_space<hbm>> -> memref<56x1x1024xf32, #tpu.memory_space<hbm>>
    %dma_start3A_173 = tpu.memref_squeeze %dma_start3A_172 : memref<56x1x1024xf32, #tpu.memory_space<hbm>> -> memref<56x1024xf32, #tpu.memory_space<hbm>>
    %dma_start3A_174 = arith.constant 0 : i32
    %dma_start3A_175 = tpu.memref_slice %arg3[%add3A_166, %dma_start3A_167, %dma_start3A_174] : memref<8192x4x1024xf32, #tpu.memory_space<hbm>> -> memref<56x1x1024xf32, #tpu.memory_space<hbm>>
    %dma_start3A_176 = tpu.memref_squeeze %dma_start3A_175 : memref<56x1x1024xf32, #tpu.memory_space<hbm>> -> memref<56x1024xf32, #tpu.memory_space<hbm>>
    %dma_start3A_177 = arith.constant 0 : i32
    %dma_start3A_178 = arith.constant 0 : i32
    %dma_start3A_179 = tpu.memref_slice %arg5[%dma_start3A_177, %dma_start3A_178] : memref<56x1024xf32, #tpu.memory_space<vmem>> -> memref<56x1024xf32, #tpu.memory_space<vmem>>
    tpu.enqueue_dma source(%dma_start3A_179 : memref<56x1024xf32, #tpu.memory_space<vmem>>) target(%dma_start3A_176 : memref<56x1024xf32, #tpu.memory_space<hbm>>) target_semaphore(%arg8 : memref<!tpu.dma_semaphore, #tpu.memory_space<semaphore_mem>>)
    %dma_start3A_180 = arith.constant 1 : i32
    %dma_start3A_181 = arith.constant 0 : i32
    %dma_start3A_182 = arith.constant 0 : i32
    %dma_start3A_183 = tpu.memref_slice %arg5[%dma_start3A_181, %dma_start3A_182] : memref<56x1024xf32, #tpu.memory_space<vmem>> -> memref<56x1024xf32, #tpu.memory_space<vmem>>
    %dma_start3A_184 = arith.constant 0 : i32
    %dma_start3A_185 = tpu.memref_slice %arg3[%add3A_166, %dma_start3A_180, %dma_start3A_184] : memref<8192x4x1024xf32, #tpu.memory_space<hbm>> -> memref<56x1x1024xf32, #tpu.memory_space<hbm>>
    %dma_start3A_186 = tpu.memref_squeeze %dma_start3A_185 : memref<56x1x1024xf32, #tpu.memory_space<hbm>> -> memref<56x1024xf32, #tpu.memory_space<hbm>>
    %dma_start3A_187 = arith.constant 0 : i32
    %dma_start3A_188 = tpu.memref_slice %arg3[%add3A_166, %dma_start3A_180, %dma_start3A_187] : memref<8192x4x1024xf32, #tpu.memory_space<hbm>> -> memref<56x1x1024xf32, #tpu.memory_space<hbm>>
    %dma_start3A_189 = tpu.memref_squeeze %dma_start3A_188 : memref<56x1x1024xf32, #tpu.memory_space<hbm>> -> memref<56x1024xf32, #tpu.memory_space<hbm>>
    %dma_start3A_190 = arith.constant 0 : i32
    %dma_start3A_191 = arith.constant 0 : i32
    %dma_start3A_192 = tpu.memref_slice %arg5[%dma_start3A_190, %dma_start3A_191] : memref<56x1024xf32, #tpu.memory_space<vmem>> -> memref<56x1024xf32, #tpu.memory_space<vmem>>
    tpu.enqueue_dma source(%dma_start3A_192 : memref<56x1024xf32, #tpu.memory_space<vmem>>) target(%dma_start3A_189 : memref<56x1024xf32, #tpu.memory_space<hbm>>) target_semaphore(%arg8 : memref<!tpu.dma_semaphore, #tpu.memory_space<semaphore_mem>>)
    %dma_start3A_193 = arith.constant 2 : i32
    %dma_start3A_194 = arith.constant 0 : i32
    %dma_start3A_195 = arith.constant 0 : i32
    %dma_start3A_196 = tpu.memref_slice %arg5[%dma_start3A_194, %dma_start3A_195] : memref<56x1024xf32, #tpu.memory_space<vmem>> -> memref<56x1024xf32, #tpu.memory_space<vmem>>
    %dma_start3A_197 = arith.constant 0 : i32
    %dma_start3A_198 = tpu.memref_slice %arg3[%add3A_166, %dma_start3A_193, %dma_start3A_197] : memref<8192x4x1024xf32, #tpu.memory_space<hbm>> -> memref<56x1x1024xf32, #tpu.memory_space<hbm>>
    %dma_start3A_199 = tpu.memref_squeeze %dma_start3A_198 : memref<56x1x1024xf32, #tpu.memory_space<hbm>> -> memref<56x1024xf32, #tpu.memory_space<hbm>>
    %dma_start3A_200 = arith.constant 0 : i32
    %dma_start3A_201 = tpu.memref_slice %arg3[%add3A_166, %dma_start3A_193, %dma_start3A_200] : memref<8192x4x1024xf32, #tpu.memory_space<hbm>> -> memref<56x1x1024xf32, #tpu.memory_space<hbm>>
    %dma_start3A_202 = tpu.memref_squeeze %dma_start3A_201 : memref<56x1x1024xf32, #tpu.memory_space<hbm>> -> memref<56x1024xf32, #tpu.memory_space<hbm>>
    %dma_start3A_203 = arith.constant 0 : i32
    %dma_start3A_204 = arith.constant 0 : i32
    %dma_start3A_205 = tpu.memref_slice %arg5[%dma_start3A_203, %dma_start3A_204] : memref<56x1024xf32, #tpu.memory_space<vmem>> -> memref<56x1024xf32, #tpu.memory_space<vmem>>
    tpu.enqueue_dma source(%dma_start3A_205 : memref<56x1024xf32, #tpu.memory_space<vmem>>) target(%dma_start3A_202 : memref<56x1024xf32, #tpu.memory_space<hbm>>) target_semaphore(%arg8 : memref<!tpu.dma_semaphore, #tpu.memory_space<semaphore_mem>>)
    %dma_start3A_206 = arith.constant 3 : i32
    %dma_start3A_207 = arith.constant 0 : i32
    %dma_start3A_208 = arith.constant 0 : i32
    %dma_start3A_209 = tpu.memref_slice %arg5[%dma_start3A_207, %dma_start3A_208] : memref<56x1024xf32, #tpu.memory_space<vmem>> -> memref<56x1024xf32, #tpu.memory_space<vmem>>
    %dma_start3A_210 = arith.constant 0 : i32
    %dma_start3A_211 = tpu.memref_slice %arg3[%add3A_166, %dma_start3A_206, %dma_start3A_210] : memref<8192x4x1024xf32, #tpu.memory_space<hbm>> -> memref<56x1x1024xf32, #tpu.memory_space<hbm>>
    %dma_start3A_212 = tpu.memref_squeeze %dma_start3A_211 : memref<56x1x1024xf32, #tpu.memory_space<hbm>> -> memref<56x1024xf32, #tpu.memory_space<hbm>>
    %dma_start3A_213 = arith.constant 0 : i32
    %dma_start3A_214 = tpu.memref_slice %arg3[%add3A_166, %dma_start3A_206, %dma_start3A_213] : memref<8192x4x1024xf32, #tpu.memory_space<hbm>> -> memref<56x1x1024xf32, #tpu.memory_space<hbm>>
    %dma_start3A_215 = tpu.memref_squeeze %dma_start3A_214 : memref<56x1x1024xf32, #tpu.memory_space<hbm>> -> memref<56x1024xf32, #tpu.memory_space<hbm>>
    %dma_start3A_216 = arith.constant 0 : i32
    %dma_start3A_217 = arith.constant 0 : i32
    %dma_start3A_218 = tpu.memref_slice %arg5[%dma_start3A_216, %dma_start3A_217] : memref<56x1024xf32, #tpu.memory_space<vmem>> -> memref<56x1024xf32, #tpu.memory_space<vmem>>
    tpu.enqueue_dma source(%dma_start3A_218 : memref<56x1024xf32, #tpu.memory_space<vmem>>) target(%dma_start3A_215 : memref<56x1024xf32, #tpu.memory_space<hbm>>) target_semaphore(%arg8 : memref<!tpu.dma_semaphore, #tpu.memory_space<semaphore_mem>>)
    %dma_wait3A_219 = arith.constant 0 : i32
    %dma_wait3A_220 = arith.constant 0 : i32
    %dma_wait3A_221 = tpu.memref_slice %arg4[%dma_wait3A_219, %dma_wait3A_220] : memref<56x1024xf32, #tpu.memory_space<vmem>> -> memref<56x1024xf32, #tpu.memory_space<vmem>>
    %dma_wait3A_222 = arith.constant 0 : i32
    %dma_wait3A_223 = tpu.memref_slice %arg2[%add3A_154, %dma_wait3A_222] : memref<8192x1024xf32, #tpu.memory_space<hbm>> -> memref<56x1024xf32, #tpu.memory_space<hbm>>
    %dma_wait3A_224 = arith.constant 0 : i32
    %dma_wait3A_225 = arith.constant 0 : i32
    %dma_wait3A_226 = tpu.memref_slice %arg4[%dma_wait3A_224, %dma_wait3A_225] : memref<56x1024xf32, #tpu.memory_space<vmem>> -> memref<56x1024xf32, #tpu.memory_space<vmem>>
    %dma_wait3A_227 = arith.constant 0 : i32
    %dma_wait3A_228 = tpu.memref_slice %arg2[%add3A_154, %dma_wait3A_227] : memref<8192x1024xf32, #tpu.memory_space<hbm>> -> memref<56x1024xf32, #tpu.memory_space<hbm>>
    tpu.wait_dma2 semaphore(%arg6 : memref<!tpu.dma_semaphore, #tpu.memory_space<semaphore_mem>>) src(%dma_wait3A_228 : memref<56x1024xf32, #tpu.memory_space<hbm>>) dst(%dma_wait3A_226 : memref<56x1024xf32, #tpu.memory_space<vmem>>)
    %dma_wait3A_229 = arith.constant 0 : i32
    %dma_wait3A_230 = arith.constant 0 : i32
    %dma_wait3A_231 = arith.constant 0 : i32
    %dma_wait3A_232 = tpu.memref_slice %arg5[%dma_wait3A_230, %dma_wait3A_231] : memref<56x1024xf32, #tpu.memory_space<vmem>> -> memref<56x1024xf32, #tpu.memory_space<vmem>>
    %dma_wait3A_233 = arith.constant 0 : i32
    %dma_wait3A_234 = tpu.memref_slice %arg3[%add3A_166, %dma_wait3A_229, %dma_wait3A_233] : memref<8192x4x1024xf32, #tpu.memory_space<hbm>> -> memref<56x1x1024xf32, #tpu.memory_space<hbm>>
    %dma_wait3A_235 = tpu.memref_squeeze %dma_wait3A_234 : memref<56x1x1024xf32, #tpu.memory_space<hbm>> -> memref<56x1024xf32, #tpu.memory_space<hbm>>
    %dma_wait3A_236 = arith.constant 0 : i32
    %dma_wait3A_237 = tpu.memref_slice %arg3[%add3A_166, %dma_wait3A_229, %dma_wait3A_236] : memref<8192x4x1024xf32, #tpu.memory_space<hbm>> -> memref<56x1x1024xf32, #tpu.memory_space<hbm>>
    %dma_wait3A_238 = tpu.memref_squeeze %dma_wait3A_237 : memref<56x1x1024xf32, #tpu.memory_space<hbm>> -> memref<56x1024xf32, #tpu.memory_space<hbm>>
    %dma_wait3A_239 = arith.constant 0 : i32
    %dma_wait3A_240 = arith.constant 0 : i32
    %dma_wait3A_241 = tpu.memref_slice %arg5[%dma_wait3A_239, %dma_wait3A_240] : memref<56x1024xf32, #tpu.memory_space<vmem>> -> memref<56x1024xf32, #tpu.memory_space<vmem>>
    tpu.wait_dma2 semaphore(%arg8 : memref<!tpu.dma_semaphore, #tpu.memory_space<semaphore_mem>>) src(%dma_wait3A_241 : memref<56x1024xf32, #tpu.memory_space<vmem>>) dst(%dma_wait3A_238 : memref<56x1024xf32, #tpu.memory_space<hbm>>)
    %dma_wait3A_242 = arith.constant 1 : i32
    %dma_wait3A_243 = arith.constant 0 : i32
    %dma_wait3A_244 = arith.constant 0 : i32
    %dma_wait3A_245 = tpu.memref_slice %arg5[%dma_wait3A_243, %dma_wait3A_244] : memref<56x1024xf32, #tpu.memory_space<vmem>> -> memref<56x1024xf32, #tpu.memory_space<vmem>>
    %dma_wait3A_246 = arith.constant 0 : i32
    %dma_wait3A_247 = tpu.memref_slice %arg3[%add3A_166, %dma_wait3A_242, %dma_wait3A_246] : memref<8192x4x1024xf32, #tpu.memory_space<hbm>> -> memref<56x1x1024xf32, #tpu.memory_space<hbm>>
    %dma_wait3A_248 = tpu.memref_squeeze %dma_wait3A_247 : memref<56x1x1024xf32, #tpu.memory_space<hbm>> -> memref<56x1024xf32, #tpu.memory_space<hbm>>
    %dma_wait3A_249 = arith.constant 0 : i32
    %dma_wait3A_250 = tpu.memref_slice %arg3[%add3A_166, %dma_wait3A_242, %dma_wait3A_249] : memref<8192x4x1024xf32, #tpu.memory_space<hbm>> -> memref<56x1x1024xf32, #tpu.memory_space<hbm>>
    %dma_wait3A_251 = tpu.memref_squeeze %dma_wait3A_250 : memref<56x1x1024xf32, #tpu.memory_space<hbm>> -> memref<56x1024xf32, #tpu.memory_space<hbm>>
    %dma_wait3A_252 = arith.constant 0 : i32
    %dma_wait3A_253 = arith.constant 0 : i32
    %dma_wait3A_254 = tpu.memref_slice %arg5[%dma_wait3A_252, %dma_wait3A_253] : memref<56x1024xf32, #tpu.memory_space<vmem>> -> memref<56x1024xf32, #tpu.memory_space<vmem>>
    tpu.wait_dma2 semaphore(%arg8 : memref<!tpu.dma_semaphore, #tpu.memory_space<semaphore_mem>>) src(%dma_wait3A_254 : memref<56x1024xf32, #tpu.memory_space<vmem>>) dst(%dma_wait3A_251 : memref<56x1024xf32, #tpu.memory_space<hbm>>)
    %dma_wait3A_255 = arith.constant 2 : i32
    %dma_wait3A_256 = arith.constant 0 : i32
    %dma_wait3A_257 = arith.constant 0 : i32
    %dma_wait3A_258 = tpu.memref_slice %arg5[%dma_wait3A_256, %dma_wait3A_257] : memref<56x1024xf32, #tpu.memory_space<vmem>> -> memref<56x1024xf32, #tpu.memory_space<vmem>>
    %dma_wait3A_259 = arith.constant 0 : i32
    %dma_wait3A_260 = tpu.memref_slice %arg3[%add3A_166, %dma_wait3A_255, %dma_wait3A_259] : memref<8192x4x1024xf32, #tpu.memory_space<hbm>> -> memref<56x1x1024xf32, #tpu.memory_space<hbm>>
    %dma_wait3A_261 = tpu.memref_squeeze %dma_wait3A_260 : memref<56x1x1024xf32, #tpu.memory_space<hbm>> -> memref<56x1024xf32, #tpu.memory_space<hbm>>
    %dma_wait3A_262 = arith.constant 0 : i32
    %dma_wait3A_263 = tpu.memref_slice %arg3[%add3A_166, %dma_wait3A_255, %dma_wait3A_262] : memref<8192x4x1024xf32, #tpu.memory_space<hbm>> -> memref<56x1x1024xf32, #tpu.memory_space<hbm>>
    %dma_wait3A_264 = tpu.memref_squeeze %dma_wait3A_263 : memref<56x1x1024xf32, #tpu.memory_space<hbm>> -> memref<56x1024xf32, #tpu.memory_space<hbm>>
    %dma_wait3A_265 = arith.constant 0 : i32
    %dma_wait3A_266 = arith.constant 0 : i32
    %dma_wait3A_267 = tpu.memref_slice %arg5[%dma_wait3A_265, %dma_wait3A_266] : memref<56x1024xf32, #tpu.memory_space<vmem>> -> memref<56x1024xf32, #tpu.memory_space<vmem>>
    tpu.wait_dma2 semaphore(%arg8 : memref<!tpu.dma_semaphore, #tpu.memory_space<semaphore_mem>>) src(%dma_wait3A_267 : memref<56x1024xf32, #tpu.memory_space<vmem>>) dst(%dma_wait3A_264 : memref<56x1024xf32, #tpu.memory_space<hbm>>)
    %dma_wait3A_268 = arith.constant 3 : i32
    %dma_wait3A_269 = arith.constant 0 : i32
    %dma_wait3A_270 = arith.constant 0 : i32
    %dma_wait3A_271 = tpu.memref_slice %arg5[%dma_wait3A_269, %dma_wait3A_270] : memref<56x1024xf32, #tpu.memory_space<vmem>> -> memref<56x1024xf32, #tpu.memory_space<vmem>>
    %dma_wait3A_272 = arith.constant 0 : i32
    %dma_wait3A_273 = tpu.memref_slice %arg3[%add3A_166, %dma_wait3A_268, %dma_wait3A_272] : memref<8192x4x1024xf32, #tpu.memory_space<hbm>> -> memref<56x1x1024xf32, #tpu.memory_space<hbm>>
    %dma_wait3A_274 = tpu.memref_squeeze %dma_wait3A_273 : memref<56x1x1024xf32, #tpu.memory_space<hbm>> -> memref<56x1024xf32, #tpu.memory_space<hbm>>
    %dma_wait3A_275 = arith.constant 0 : i32
    %dma_wait3A_276 = tpu.memref_slice %arg3[%add3A_166, %dma_wait3A_268, %dma_wait3A_275] : memref<8192x4x1024xf32, #tpu.memory_space<hbm>> -> memref<56x1x1024xf32, #tpu.memory_space<hbm>>
    %dma_wait3A_277 = tpu.memref_squeeze %dma_wait3A_276 : memref<56x1x1024xf32, #tpu.memory_space<hbm>> -> memref<56x1024xf32, #tpu.memory_space<hbm>>
    %dma_wait3A_278 = arith.constant 0 : i32
    %dma_wait3A_279 = arith.constant 0 : i32
    %dma_wait3A_280 = tpu.memref_slice %arg5[%dma_wait3A_278, %dma_wait3A_279] : memref<56x1024xf32, #tpu.memory_space<vmem>> -> memref<56x1024xf32, #tpu.memory_space<vmem>>
    tpu.wait_dma2 semaphore(%arg8 : memref<!tpu.dma_semaphore, #tpu.memory_space<semaphore_mem>>) src(%dma_wait3A_280 : memref<56x1024xf32, #tpu.memory_space<vmem>>) dst(%dma_wait3A_277 : memref<56x1024xf32, #tpu.memory_space<hbm>>)
    %add3A_281 = arith.constant 168 : i32
    %add3A_282 = arith.addi %mul3A_2, %add3A_281 : i32
    %dma_start3A_283 = arith.constant 0 : i32
    %dma_start3A_284 = arith.constant 0 : i32
    %dma_start3A_285 = tpu.memref_slice %arg5[%dma_start3A_283, %dma_start3A_284] : memref<56x1024xf32, #tpu.memory_space<vmem>> -> memref<56x1024xf32, #tpu.memory_space<vmem>>
    %dma_start3A_286 = arith.constant 0 : i32
    %dma_start3A_287 = tpu.memref_slice %arg2[%add3A_282, %dma_start3A_286] : memref<8192x1024xf32, #tpu.memory_space<hbm>> -> memref<56x1024xf32, #tpu.memory_space<hbm>>
    %dma_start3A_288 = arith.constant 0 : i32
    %dma_start3A_289 = arith.constant 0 : i32
    %dma_start3A_290 = tpu.memref_slice %arg5[%dma_start3A_288, %dma_start3A_289] : memref<56x1024xf32, #tpu.memory_space<vmem>> -> memref<56x1024xf32, #tpu.memory_space<vmem>>
    %dma_start3A_291 = arith.constant 0 : i32
    %dma_start3A_292 = tpu.memref_slice %arg2[%add3A_282, %dma_start3A_291] : memref<8192x1024xf32, #tpu.memory_space<hbm>> -> memref<56x1024xf32, #tpu.memory_space<hbm>>
    tpu.enqueue_dma source(%dma_start3A_292 : memref<56x1024xf32, #tpu.memory_space<hbm>>) target(%dma_start3A_290 : memref<56x1024xf32, #tpu.memory_space<vmem>>) target_semaphore(%arg6 : memref<!tpu.dma_semaphore, #tpu.memory_space<semaphore_mem>>)
    %add3A_293 = arith.constant 112 : i32
    %add3A_294 = arith.addi %mul3A_2, %add3A_293 : i32
    %dma_start3A_295 = arith.constant 0 : i32
    %dma_start3A_296 = arith.constant 0 : i32
    %dma_start3A_297 = arith.constant 0 : i32
    %dma_start3A_298 = tpu.memref_slice %arg4[%dma_start3A_296, %dma_start3A_297] : memref<56x1024xf32, #tpu.memory_space<vmem>> -> memref<56x1024xf32, #tpu.memory_space<vmem>>
    %dma_start3A_299 = arith.constant 0 : i32
    %dma_start3A_300 = tpu.memref_slice %arg3[%add3A_294, %dma_start3A_295, %dma_start3A_299] : memref<8192x4x1024xf32, #tpu.memory_space<hbm>> -> memref<56x1x1024xf32, #tpu.memory_space<hbm>>
    %dma_start3A_301 = tpu.memref_squeeze %dma_start3A_300 : memref<56x1x1024xf32, #tpu.memory_space<hbm>> -> memref<56x1024xf32, #tpu.memory_space<hbm>>
    %dma_start3A_302 = arith.constant 0 : i32
    %dma_start3A_303 = tpu.memref_slice %arg3[%add3A_294, %dma_start3A_295, %dma_start3A_302] : memref<8192x4x1024xf32, #tpu.memory_space<hbm>> -> memref<56x1x1024xf32, #tpu.memory_space<hbm>>
    %dma_start3A_304 = tpu.memref_squeeze %dma_start3A_303 : memref<56x1x1024xf32, #tpu.memory_space<hbm>> -> memref<56x1024xf32, #tpu.memory_space<hbm>>
    %dma_start3A_305 = arith.constant 0 : i32
    %dma_start3A_306 = arith.constant 0 : i32
    %dma_start3A_307 = tpu.memref_slice %arg4[%dma_start3A_305, %dma_start3A_306] : memref<56x1024xf32, #tpu.memory_space<vmem>> -> memref<56x1024xf32, #tpu.memory_space<vmem>>
    tpu.enqueue_dma source(%dma_start3A_307 : memref<56x1024xf32, #tpu.memory_space<vmem>>) target(%dma_start3A_304 : memref<56x1024xf32, #tpu.memory_space<hbm>>) target_semaphore(%arg7 : memref<!tpu.dma_semaphore, #tpu.memory_space<semaphore_mem>>)
    %dma_start3A_308 = arith.constant 1 : i32
    %dma_start3A_309 = arith.constant 0 : i32
    %dma_start3A_310 = arith.constant 0 : i32
    %dma_start3A_311 = tpu.memref_slice %arg4[%dma_start3A_309, %dma_start3A_310] : memref<56x1024xf32, #tpu.memory_space<vmem>> -> memref<56x1024xf32, #tpu.memory_space<vmem>>
    %dma_start3A_312 = arith.constant 0 : i32
    %dma_start3A_313 = tpu.memref_slice %arg3[%add3A_294, %dma_start3A_308, %dma_start3A_312] : memref<8192x4x1024xf32, #tpu.memory_space<hbm>> -> memref<56x1x1024xf32, #tpu.memory_space<hbm>>
    %dma_start3A_314 = tpu.memref_squeeze %dma_start3A_313 : memref<56x1x1024xf32, #tpu.memory_space<hbm>> -> memref<56x1024xf32, #tpu.memory_space<hbm>>
    %dma_start3A_315 = arith.constant 0 : i32
    %dma_start3A_316 = tpu.memref_slice %arg3[%add3A_294, %dma_start3A_308, %dma_start3A_315] : memref<8192x4x1024xf32, #tpu.memory_space<hbm>> -> memref<56x1x1024xf32, #tpu.memory_space<hbm>>
    %dma_start3A_317 = tpu.memref_squeeze %dma_start3A_316 : memref<56x1x1024xf32, #tpu.memory_space<hbm>> -> memref<56x1024xf32, #tpu.memory_space<hbm>>
    %dma_start3A_318 = arith.constant 0 : i32
    %dma_start3A_319 = arith.constant 0 : i32
    %dma_start3A_320 = tpu.memref_slice %arg4[%dma_start3A_318, %dma_start3A_319] : memref<56x1024xf32, #tpu.memory_space<vmem>> -> memref<56x1024xf32, #tpu.memory_space<vmem>>
    tpu.enqueue_dma source(%dma_start3A_320 : memref<56x1024xf32, #tpu.memory_space<vmem>>) target(%dma_start3A_317 : memref<56x1024xf32, #tpu.memory_space<hbm>>) target_semaphore(%arg7 : memref<!tpu.dma_semaphore, #tpu.memory_space<semaphore_mem>>)
    %dma_start3A_321 = arith.constant 2 : i32
    %dma_start3A_322 = arith.constant 0 : i32
    %dma_start3A_323 = arith.constant 0 : i32
    %dma_start3A_324 = tpu.memref_slice %arg4[%dma_start3A_322, %dma_start3A_323] : memref<56x1024xf32, #tpu.memory_space<vmem>> -> memref<56x1024xf32, #tpu.memory_space<vmem>>
    %dma_start3A_325 = arith.constant 0 : i32
    %dma_start3A_326 = tpu.memref_slice %arg3[%add3A_294, %dma_start3A_321, %dma_start3A_325] : memref<8192x4x1024xf32, #tpu.memory_space<hbm>> -> memref<56x1x1024xf32, #tpu.memory_space<hbm>>
    %dma_start3A_327 = tpu.memref_squeeze %dma_start3A_326 : memref<56x1x1024xf32, #tpu.memory_space<hbm>> -> memref<56x1024xf32, #tpu.memory_space<hbm>>
    %dma_start3A_328 = arith.constant 0 : i32
    %dma_start3A_329 = tpu.memref_slice %arg3[%add3A_294, %dma_start3A_321, %dma_start3A_328] : memref<8192x4x1024xf32, #tpu.memory_space<hbm>> -> memref<56x1x1024xf32, #tpu.memory_space<hbm>>
    %dma_start3A_330 = tpu.memref_squeeze %dma_start3A_329 : memref<56x1x1024xf32, #tpu.memory_space<hbm>> -> memref<56x1024xf32, #tpu.memory_space<hbm>>
    %dma_start3A_331 = arith.constant 0 : i32
    %dma_start3A_332 = arith.constant 0 : i32
    %dma_start3A_333 = tpu.memref_slice %arg4[%dma_start3A_331, %dma_start3A_332] : memref<56x1024xf32, #tpu.memory_space<vmem>> -> memref<56x1024xf32, #tpu.memory_space<vmem>>
    tpu.enqueue_dma source(%dma_start3A_333 : memref<56x1024xf32, #tpu.memory_space<vmem>>) target(%dma_start3A_330 : memref<56x1024xf32, #tpu.memory_space<hbm>>) target_semaphore(%arg7 : memref<!tpu.dma_semaphore, #tpu.memory_space<semaphore_mem>>)
    %dma_start3A_334 = arith.constant 3 : i32
    %dma_start3A_335 = arith.constant 0 : i32
    %dma_start3A_336 = arith.constant 0 : i32
    %dma_start3A_337 = tpu.memref_slice %arg4[%dma_start3A_335, %dma_start3A_336] : memref<56x1024xf32, #tpu.memory_space<vmem>> -> memref<56x1024xf32, #tpu.memory_space<vmem>>
    %dma_start3A_338 = arith.constant 0 : i32
    %dma_start3A_339 = tpu.memref_slice %arg3[%add3A_294, %dma_start3A_334, %dma_start3A_338] : memref<8192x4x1024xf32, #tpu.memory_space<hbm>> -> memref<56x1x1024xf32, #tpu.memory_space<hbm>>
    %dma_start3A_340 = tpu.memref_squeeze %dma_start3A_339 : memref<56x1x1024xf32, #tpu.memory_space<hbm>> -> memref<56x1024xf32, #tpu.memory_space<hbm>>
    %dma_start3A_341 = arith.constant 0 : i32
    %dma_start3A_342 = tpu.memref_slice %arg3[%add3A_294, %dma_start3A_334, %dma_start3A_341] : memref<8192x4x1024xf32, #tpu.memory_space<hbm>> -> memref<56x1x1024xf32, #tpu.memory_space<hbm>>
    %dma_start3A_343 = tpu.memref_squeeze %dma_start3A_342 : memref<56x1x1024xf32, #tpu.memory_space<hbm>> -> memref<56x1024xf32, #tpu.memory_space<hbm>>
    %dma_start3A_344 = arith.constant 0 : i32
    %dma_start3A_345 = arith.constant 0 : i32
    %dma_start3A_346 = tpu.memref_slice %arg4[%dma_start3A_344, %dma_start3A_345] : memref<56x1024xf32, #tpu.memory_space<vmem>> -> memref<56x1024xf32, #tpu.memory_space<vmem>>
    tpu.enqueue_dma source(%dma_start3A_346 : memref<56x1024xf32, #tpu.memory_space<vmem>>) target(%dma_start3A_343 : memref<56x1024xf32, #tpu.memory_space<hbm>>) target_semaphore(%arg7 : memref<!tpu.dma_semaphore, #tpu.memory_space<semaphore_mem>>)
    %dma_wait3A_347 = arith.constant 0 : i32
    %dma_wait3A_348 = arith.constant 0 : i32
    %dma_wait3A_349 = tpu.memref_slice %arg5[%dma_wait3A_347, %dma_wait3A_348] : memref<56x1024xf32, #tpu.memory_space<vmem>> -> memref<56x1024xf32, #tpu.memory_space<vmem>>
    %dma_wait3A_350 = arith.constant 0 : i32
    %dma_wait3A_351 = tpu.memref_slice %arg2[%add3A_282, %dma_wait3A_350] : memref<8192x1024xf32, #tpu.memory_space<hbm>> -> memref<56x1024xf32, #tpu.memory_space<hbm>>
    %dma_wait3A_352 = arith.constant 0 : i32
    %dma_wait3A_353 = arith.constant 0 : i32
    %dma_wait3A_354 = tpu.memref_slice %arg5[%dma_wait3A_352, %dma_wait3A_353] : memref<56x1024xf32, #tpu.memory_space<vmem>> -> memref<56x1024xf32, #tpu.memory_space<vmem>>
    %dma_wait3A_355 = arith.constant 0 : i32
    %dma_wait3A_356 = tpu.memref_slice %arg2[%add3A_282, %dma_wait3A_355] : memref<8192x1024xf32, #tpu.memory_space<hbm>> -> memref<56x1024xf32, #tpu.memory_space<hbm>>
    tpu.wait_dma2 semaphore(%arg6 : memref<!tpu.dma_semaphore, #tpu.memory_space<semaphore_mem>>) src(%dma_wait3A_356 : memref<56x1024xf32, #tpu.memory_space<hbm>>) dst(%dma_wait3A_354 : memref<56x1024xf32, #tpu.memory_space<vmem>>)
    %dma_wait3A_357 = arith.constant 0 : i32
    %dma_wait3A_358 = arith.constant 0 : i32
    %dma_wait3A_359 = arith.constant 0 : i32
    %dma_wait3A_360 = tpu.memref_slice %arg4[%dma_wait3A_358, %dma_wait3A_359] : memref<56x1024xf32, #tpu.memory_space<vmem>> -> memref<56x1024xf32, #tpu.memory_space<vmem>>
    %dma_wait3A_361 = arith.constant 0 : i32
    %dma_wait3A_362 = tpu.memref_slice %arg3[%add3A_294, %dma_wait3A_357, %dma_wait3A_361] : memref<8192x4x1024xf32, #tpu.memory_space<hbm>> -> memref<56x1x1024xf32, #tpu.memory_space<hbm>>
    %dma_wait3A_363 = tpu.memref_squeeze %dma_wait3A_362 : memref<56x1x1024xf32, #tpu.memory_space<hbm>> -> memref<56x1024xf32, #tpu.memory_space<hbm>>
    %dma_wait3A_364 = arith.constant 0 : i32
    %dma_wait3A_365 = tpu.memref_slice %arg3[%add3A_294, %dma_wait3A_357, %dma_wait3A_364] : memref<8192x4x1024xf32, #tpu.memory_space<hbm>> -> memref<56x1x1024xf32, #tpu.memory_space<hbm>>
    %dma_wait3A_366 = tpu.memref_squeeze %dma_wait3A_365 : memref<56x1x1024xf32, #tpu.memory_space<hbm>> -> memref<56x1024xf32, #tpu.memory_space<hbm>>
    %dma_wait3A_367 = arith.constant 0 : i32
    %dma_wait3A_368 = arith.constant 0 : i32
    %dma_wait3A_369 = tpu.memref_slice %arg4[%dma_wait3A_367, %dma_wait3A_368] : memref<56x1024xf32, #tpu.memory_space<vmem>> -> memref<56x1024xf32, #tpu.memory_space<vmem>>
    tpu.wait_dma2 semaphore(%arg7 : memref<!tpu.dma_semaphore, #tpu.memory_space<semaphore_mem>>) src(%dma_wait3A_369 : memref<56x1024xf32, #tpu.memory_space<vmem>>) dst(%dma_wait3A_366 : memref<56x1024xf32, #tpu.memory_space<hbm>>)
    %dma_wait3A_370 = arith.constant 1 : i32
    %dma_wait3A_371 = arith.constant 0 : i32
    %dma_wait3A_372 = arith.constant 0 : i32
    %dma_wait3A_373 = tpu.memref_slice %arg4[%dma_wait3A_371, %dma_wait3A_372] : memref<56x1024xf32, #tpu.memory_space<vmem>> -> memref<56x1024xf32, #tpu.memory_space<vmem>>
    %dma_wait3A_374 = arith.constant 0 : i32
    %dma_wait3A_375 = tpu.memref_slice %arg3[%add3A_294, %dma_wait3A_370, %dma_wait3A_374] : memref<8192x4x1024xf32, #tpu.memory_space<hbm>> -> memref<56x1x1024xf32, #tpu.memory_space<hbm>>
    %dma_wait3A_376 = tpu.memref_squeeze %dma_wait3A_375 : memref<56x1x1024xf32, #tpu.memory_space<hbm>> -> memref<56x1024xf32, #tpu.memory_space<hbm>>
    %dma_wait3A_377 = arith.constant 0 : i32
    %dma_wait3A_378 = tpu.memref_slice %arg3[%add3A_294, %dma_wait3A_370, %dma_wait3A_377] : memref<8192x4x1024xf32, #tpu.memory_space<hbm>> -> memref<56x1x1024xf32, #tpu.memory_space<hbm>>
    %dma_wait3A_379 = tpu.memref_squeeze %dma_wait3A_378 : memref<56x1x1024xf32, #tpu.memory_space<hbm>> -> memref<56x1024xf32, #tpu.memory_space<hbm>>
    %dma_wait3A_380 = arith.constant 0 : i32
    %dma_wait3A_381 = arith.constant 0 : i32
    %dma_wait3A_382 = tpu.memref_slice %arg4[%dma_wait3A_380, %dma_wait3A_381] : memref<56x1024xf32, #tpu.memory_space<vmem>> -> memref<56x1024xf32, #tpu.memory_space<vmem>>
    tpu.wait_dma2 semaphore(%arg7 : memref<!tpu.dma_semaphore, #tpu.memory_space<semaphore_mem>>) src(%dma_wait3A_382 : memref<56x1024xf32, #tpu.memory_space<vmem>>) dst(%dma_wait3A_379 : memref<56x1024xf32, #tpu.memory_space<hbm>>)
    %dma_wait3A_383 = arith.constant 2 : i32
    %dma_wait3A_384 = arith.constant 0 : i32
    %dma_wait3A_385 = arith.constant 0 : i32
    %dma_wait3A_386 = tpu.memref_slice %arg4[%dma_wait3A_384, %dma_wait3A_385] : memref<56x1024xf32, #tpu.memory_space<vmem>> -> memref<56x1024xf32, #tpu.memory_space<vmem>>
    %dma_wait3A_387 = arith.constant 0 : i32
    %dma_wait3A_388 = tpu.memref_slice %arg3[%add3A_294, %dma_wait3A_383, %dma_wait3A_387] : memref<8192x4x1024xf32, #tpu.memory_space<hbm>> -> memref<56x1x1024xf32, #tpu.memory_space<hbm>>
    %dma_wait3A_389 = tpu.memref_squeeze %dma_wait3A_388 : memref<56x1x1024xf32, #tpu.memory_space<hbm>> -> memref<56x1024xf32, #tpu.memory_space<hbm>>
    %dma_wait3A_390 = arith.constant 0 : i32
    %dma_wait3A_391 = tpu.memref_slice %arg3[%add3A_294, %dma_wait3A_383, %dma_wait3A_390] : memref<8192x4x1024xf32, #tpu.memory_space<hbm>> -> memref<56x1x1024xf32, #tpu.memory_space<hbm>>
    %dma_wait3A_392 = tpu.memref_squeeze %dma_wait3A_391 : memref<56x1x1024xf32, #tpu.memory_space<hbm>> -> memref<56x1024xf32, #tpu.memory_space<hbm>>
    %dma_wait3A_393 = arith.constant 0 : i32
    %dma_wait3A_394 = arith.constant 0 : i32
    %dma_wait3A_395 = tpu.memref_slice %arg4[%dma_wait3A_393, %dma_wait3A_394] : memref<56x1024xf32, #tpu.memory_space<vmem>> -> memref<56x1024xf32, #tpu.memory_space<vmem>>
    tpu.wait_dma2 semaphore(%arg7 : memref<!tpu.dma_semaphore, #tpu.memory_space<semaphore_mem>>) src(%dma_wait3A_395 : memref<56x1024xf32, #tpu.memory_space<vmem>>) dst(%dma_wait3A_392 : memref<56x1024xf32, #tpu.memory_space<hbm>>)
    %dma_wait3A_396 = arith.constant 3 : i32
    %dma_wait3A_397 = arith.constant 0 : i32
    %dma_wait3A_398 = arith.constant 0 : i32
    %dma_wait3A_399 = tpu.memref_slice %arg4[%dma_wait3A_397, %dma_wait3A_398] : memref<56x1024xf32, #tpu.memory_space<vmem>> -> memref<56x1024xf32, #tpu.memory_space<vmem>>
    %dma_wait3A_400 = arith.constant 0 : i32
    %dma_wait3A_401 = tpu.memref_slice %arg3[%add3A_294, %dma_wait3A_396, %dma_wait3A_400] : memref<8192x4x1024xf32, #tpu.memory_space<hbm>> -> memref<56x1x1024xf32, #tpu.memory_space<hbm>>
    %dma_wait3A_402 = tpu.memref_squeeze %dma_wait3A_401 : memref<56x1x1024xf32, #tpu.memory_space<hbm>> -> memref<56x1024xf32, #tpu.memory_space<hbm>>
    %dma_wait3A_403 = arith.constant 0 : i32
    %dma_wait3A_404 = tpu.memref_slice %arg3[%add3A_294, %dma_wait3A_396, %dma_wait3A_403] : memref<8192x4x1024xf32, #tpu.memory_space<hbm>> -> memref<56x1x1024xf32, #tpu.memory_space<hbm>>
    %dma_wait3A_405 = tpu.memref_squeeze %dma_wait3A_404 : memref<56x1x1024xf32, #tpu.memory_space<hbm>> -> memref<56x1024xf32, #tpu.memory_space<hbm>>
    %dma_wait3A_406 = arith.constant 0 : i32
    %dma_wait3A_407 = arith.constant 0 : i32
    %dma_wait3A_408 = tpu.memref_slice %arg4[%dma_wait3A_406, %dma_wait3A_407] : memref<56x1024xf32, #tpu.memory_space<vmem>> -> memref<56x1024xf32, #tpu.memory_space<vmem>>
    tpu.wait_dma2 semaphore(%arg7 : memref<!tpu.dma_semaphore, #tpu.memory_space<semaphore_mem>>) src(%dma_wait3A_408 : memref<56x1024xf32, #tpu.memory_space<vmem>>) dst(%dma_wait3A_405 : memref<56x1024xf32, #tpu.memory_space<hbm>>)
    %add3A_409 = arith.constant 224 : i32
    %add3A_410 = arith.addi %mul3A_2, %add3A_409 : i32
    %dma_start3A_411 = arith.constant 0 : i32
    %dma_start3A_412 = arith.constant 0 : i32
    %dma_start3A_413 = tpu.memref_slice %arg4[%dma_start3A_411, %dma_start3A_412] : memref<56x1024xf32, #tpu.memory_space<vmem>> -> memref<32x1024xf32, #tpu.memory_space<vmem>>
    %dma_start3A_414 = arith.constant 0 : i32
    %dma_start3A_415 = tpu.memref_slice %arg2[%add3A_410, %dma_start3A_414] : memref<8192x1024xf32, #tpu.memory_space<hbm>> -> memref<32x1024xf32, #tpu.memory_space<hbm>>
    %dma_start3A_416 = arith.constant 0 : i32
    %dma_start3A_417 = arith.constant 0 : i32
    %dma_start3A_418 = tpu.memref_slice %arg4[%dma_start3A_416, %dma_start3A_417] : memref<56x1024xf32, #tpu.memory_space<vmem>> -> memref<32x1024xf32, #tpu.memory_space<vmem>>
    %dma_start3A_419 = arith.constant 0 : i32
    %dma_start3A_420 = tpu.memref_slice %arg2[%add3A_410, %dma_start3A_419] : memref<8192x1024xf32, #tpu.memory_space<hbm>> -> memref<32x1024xf32, #tpu.memory_space<hbm>>
    tpu.enqueue_dma source(%dma_start3A_420 : memref<32x1024xf32, #tpu.memory_space<hbm>>) target(%dma_start3A_418 : memref<32x1024xf32, #tpu.memory_space<vmem>>) target_semaphore(%arg6 : memref<!tpu.dma_semaphore, #tpu.memory_space<semaphore_mem>>)
    %add3A_421 = arith.constant 168 : i32
    %add3A_422 = arith.addi %mul3A_2, %add3A_421 : i32
    %dma_start3A_423 = arith.constant 0 : i32
    %dma_start3A_424 = arith.constant 0 : i32
    %dma_start3A_425 = arith.constant 0 : i32
    %dma_start3A_426 = tpu.memref_slice %arg5[%dma_start3A_424, %dma_start3A_425] : memref<56x1024xf32, #tpu.memory_space<vmem>> -> memref<56x1024xf32, #tpu.memory_space<vmem>>
    %dma_start3A_427 = arith.constant 0 : i32
    %dma_start3A_428 = tpu.memref_slice %arg3[%add3A_422, %dma_start3A_423, %dma_start3A_427] : memref<8192x4x1024xf32, #tpu.memory_space<hbm>> -> memref<56x1x1024xf32, #tpu.memory_space<hbm>>
    %dma_start3A_429 = tpu.memref_squeeze %dma_start3A_428 : memref<56x1x1024xf32, #tpu.memory_space<hbm>> -> memref<56x1024xf32, #tpu.memory_space<hbm>>
    %dma_start3A_430 = arith.constant 0 : i32
    %dma_start3A_431 = tpu.memref_slice %arg3[%add3A_422, %dma_start3A_423, %dma_start3A_430] : memref<8192x4x1024xf32, #tpu.memory_space<hbm>> -> memref<56x1x1024xf32, #tpu.memory_space<hbm>>
    %dma_start3A_432 = tpu.memref_squeeze %dma_start3A_431 : memref<56x1x1024xf32, #tpu.memory_space<hbm>> -> memref<56x1024xf32, #tpu.memory_space<hbm>>
    %dma_start3A_433 = arith.constant 0 : i32
    %dma_start3A_434 = arith.constant 0 : i32
    %dma_start3A_435 = tpu.memref_slice %arg5[%dma_start3A_433, %dma_start3A_434] : memref<56x1024xf32, #tpu.memory_space<vmem>> -> memref<56x1024xf32, #tpu.memory_space<vmem>>
    tpu.enqueue_dma source(%dma_start3A_435 : memref<56x1024xf32, #tpu.memory_space<vmem>>) target(%dma_start3A_432 : memref<56x1024xf32, #tpu.memory_space<hbm>>) target_semaphore(%arg8 : memref<!tpu.dma_semaphore, #tpu.memory_space<semaphore_mem>>)
    %dma_start3A_436 = arith.constant 1 : i32
    %dma_start3A_437 = arith.constant 0 : i32
    %dma_start3A_438 = arith.constant 0 : i32
    %dma_start3A_439 = tpu.memref_slice %arg5[%dma_start3A_437, %dma_start3A_438] : memref<56x1024xf32, #tpu.memory_space<vmem>> -> memref<56x1024xf32, #tpu.memory_space<vmem>>
    %dma_start3A_440 = arith.constant 0 : i32
    %dma_start3A_441 = tpu.memref_slice %arg3[%add3A_422, %dma_start3A_436, %dma_start3A_440] : memref<8192x4x1024xf32, #tpu.memory_space<hbm>> -> memref<56x1x1024xf32, #tpu.memory_space<hbm>>
    %dma_start3A_442 = tpu.memref_squeeze %dma_start3A_441 : memref<56x1x1024xf32, #tpu.memory_space<hbm>> -> memref<56x1024xf32, #tpu.memory_space<hbm>>
    %dma_start3A_443 = arith.constant 0 : i32
    %dma_start3A_444 = tpu.memref_slice %arg3[%add3A_422, %dma_start3A_436, %dma_start3A_443] : memref<8192x4x1024xf32, #tpu.memory_space<hbm>> -> memref<56x1x1024xf32, #tpu.memory_space<hbm>>
    %dma_start3A_445 = tpu.memref_squeeze %dma_start3A_444 : memref<56x1x1024xf32, #tpu.memory_space<hbm>> -> memref<56x1024xf32, #tpu.memory_space<hbm>>
    %dma_start3A_446 = arith.constant 0 : i32
    %dma_start3A_447 = arith.constant 0 : i32
    %dma_start3A_448 = tpu.memref_slice %arg5[%dma_start3A_446, %dma_start3A_447] : memref<56x1024xf32, #tpu.memory_space<vmem>> -> memref<56x1024xf32, #tpu.memory_space<vmem>>
    tpu.enqueue_dma source(%dma_start3A_448 : memref<56x1024xf32, #tpu.memory_space<vmem>>) target(%dma_start3A_445 : memref<56x1024xf32, #tpu.memory_space<hbm>>) target_semaphore(%arg8 : memref<!tpu.dma_semaphore, #tpu.memory_space<semaphore_mem>>)
    %dma_start3A_449 = arith.constant 2 : i32
    %dma_start3A_450 = arith.constant 0 : i32
    %dma_start3A_451 = arith.constant 0 : i32
    %dma_start3A_452 = tpu.memref_slice %arg5[%dma_start3A_450, %dma_start3A_451] : memref<56x1024xf32, #tpu.memory_space<vmem>> -> memref<56x1024xf32, #tpu.memory_space<vmem>>
    %dma_start3A_453 = arith.constant 0 : i32
    %dma_start3A_454 = tpu.memref_slice %arg3[%add3A_422, %dma_start3A_449, %dma_start3A_453] : memref<8192x4x1024xf32, #tpu.memory_space<hbm>> -> memref<56x1x1024xf32, #tpu.memory_space<hbm>>
    %dma_start3A_455 = tpu.memref_squeeze %dma_start3A_454 : memref<56x1x1024xf32, #tpu.memory_space<hbm>> -> memref<56x1024xf32, #tpu.memory_space<hbm>>
    %dma_start3A_456 = arith.constant 0 : i32
    %dma_start3A_457 = tpu.memref_slice %arg3[%add3A_422, %dma_start3A_449, %dma_start3A_456] : memref<8192x4x1024xf32, #tpu.memory_space<hbm>> -> memref<56x1x1024xf32, #tpu.memory_space<hbm>>
    %dma_start3A_458 = tpu.memref_squeeze %dma_start3A_457 : memref<56x1x1024xf32, #tpu.memory_space<hbm>> -> memref<56x1024xf32, #tpu.memory_space<hbm>>
    %dma_start3A_459 = arith.constant 0 : i32
    %dma_start3A_460 = arith.constant 0 : i32
    %dma_start3A_461 = tpu.memref_slice %arg5[%dma_start3A_459, %dma_start3A_460] : memref<56x1024xf32, #tpu.memory_space<vmem>> -> memref<56x1024xf32, #tpu.memory_space<vmem>>
    tpu.enqueue_dma source(%dma_start3A_461 : memref<56x1024xf32, #tpu.memory_space<vmem>>) target(%dma_start3A_458 : memref<56x1024xf32, #tpu.memory_space<hbm>>) target_semaphore(%arg8 : memref<!tpu.dma_semaphore, #tpu.memory_space<semaphore_mem>>)
    %dma_start3A_462 = arith.constant 3 : i32
    %dma_start3A_463 = arith.constant 0 : i32
    %dma_start3A_464 = arith.constant 0 : i32
    %dma_start3A_465 = tpu.memref_slice %arg5[%dma_start3A_463, %dma_start3A_464] : memref<56x1024xf32, #tpu.memory_space<vmem>> -> memref<56x1024xf32, #tpu.memory_space<vmem>>
    %dma_start3A_466 = arith.constant 0 : i32
    %dma_start3A_467 = tpu.memref_slice %arg3[%add3A_422, %dma_start3A_462, %dma_start3A_466] : memref<8192x4x1024xf32, #tpu.memory_space<hbm>> -> memref<56x1x1024xf32, #tpu.memory_space<hbm>>
    %dma_start3A_468 = tpu.memref_squeeze %dma_start3A_467 : memref<56x1x1024xf32, #tpu.memory_space<hbm>> -> memref<56x1024xf32, #tpu.memory_space<hbm>>
    %dma_start3A_469 = arith.constant 0 : i32
    %dma_start3A_470 = tpu.memref_slice %arg3[%add3A_422, %dma_start3A_462, %dma_start3A_469] : memref<8192x4x1024xf32, #tpu.memory_space<hbm>> -> memref<56x1x1024xf32, #tpu.memory_space<hbm>>
    %dma_start3A_471 = tpu.memref_squeeze %dma_start3A_470 : memref<56x1x1024xf32, #tpu.memory_space<hbm>> -> memref<56x1024xf32, #tpu.memory_space<hbm>>
    %dma_start3A_472 = arith.constant 0 : i32
    %dma_start3A_473 = arith.constant 0 : i32
    %dma_start3A_474 = tpu.memref_slice %arg5[%dma_start3A_472, %dma_start3A_473] : memref<56x1024xf32, #tpu.memory_space<vmem>> -> memref<56x1024xf32, #tpu.memory_space<vmem>>
    tpu.enqueue_dma source(%dma_start3A_474 : memref<56x1024xf32, #tpu.memory_space<vmem>>) target(%dma_start3A_471 : memref<56x1024xf32, #tpu.memory_space<hbm>>) target_semaphore(%arg8 : memref<!tpu.dma_semaphore, #tpu.memory_space<semaphore_mem>>)
    %dma_wait3A_475 = arith.constant 0 : i32
    %dma_wait3A_476 = arith.constant 0 : i32
    %dma_wait3A_477 = tpu.memref_slice %arg4[%dma_wait3A_475, %dma_wait3A_476] : memref<56x1024xf32, #tpu.memory_space<vmem>> -> memref<32x1024xf32, #tpu.memory_space<vmem>>
    %dma_wait3A_478 = arith.constant 0 : i32
    %dma_wait3A_479 = tpu.memref_slice %arg2[%add3A_410, %dma_wait3A_478] : memref<8192x1024xf32, #tpu.memory_space<hbm>> -> memref<32x1024xf32, #tpu.memory_space<hbm>>
    %dma_wait3A_480 = arith.constant 0 : i32
    %dma_wait3A_481 = arith.constant 0 : i32
    %dma_wait3A_482 = tpu.memref_slice %arg4[%dma_wait3A_480, %dma_wait3A_481] : memref<56x1024xf32, #tpu.memory_space<vmem>> -> memref<32x1024xf32, #tpu.memory_space<vmem>>
    %dma_wait3A_483 = arith.constant 0 : i32
    %dma_wait3A_484 = tpu.memref_slice %arg2[%add3A_410, %dma_wait3A_483] : memref<8192x1024xf32, #tpu.memory_space<hbm>> -> memref<32x1024xf32, #tpu.memory_space<hbm>>
    tpu.wait_dma2 semaphore(%arg6 : memref<!tpu.dma_semaphore, #tpu.memory_space<semaphore_mem>>) src(%dma_wait3A_484 : memref<32x1024xf32, #tpu.memory_space<hbm>>) dst(%dma_wait3A_482 : memref<32x1024xf32, #tpu.memory_space<vmem>>)
    %add3A_485 = arith.constant 224 : i32
    %add3A_486 = arith.addi %mul3A_2, %add3A_485 : i32
    %dma_start3A_487 = arith.constant 0 : i32
    %dma_start3A_488 = arith.constant 0 : i32
    %dma_start3A_489 = arith.constant 0 : i32
    %dma_start3A_490 = tpu.memref_slice %arg4[%dma_start3A_488, %dma_start3A_489] : memref<56x1024xf32, #tpu.memory_space<vmem>> -> memref<32x1024xf32, #tpu.memory_space<vmem>>
    %dma_start3A_491 = arith.constant 0 : i32
    %dma_start3A_492 = tpu.memref_slice %arg3[%add3A_486, %dma_start3A_487, %dma_start3A_491] : memref<8192x4x1024xf32, #tpu.memory_space<hbm>> -> memref<32x1x1024xf32, #tpu.memory_space<hbm>>
    %dma_start3A_493 = tpu.memref_squeeze %dma_start3A_492 : memref<32x1x1024xf32, #tpu.memory_space<hbm>> -> memref<32x1024xf32, #tpu.memory_space<hbm>>
    %dma_start3A_494 = arith.constant 0 : i32
    %dma_start3A_495 = tpu.memref_slice %arg3[%add3A_486, %dma_start3A_487, %dma_start3A_494] : memref<8192x4x1024xf32, #tpu.memory_space<hbm>> -> memref<32x1x1024xf32, #tpu.memory_space<hbm>>
    %dma_start3A_496 = tpu.memref_squeeze %dma_start3A_495 : memref<32x1x1024xf32, #tpu.memory_space<hbm>> -> memref<32x1024xf32, #tpu.memory_space<hbm>>
    %dma_start3A_497 = arith.constant 0 : i32
    %dma_start3A_498 = arith.constant 0 : i32
    %dma_start3A_499 = tpu.memref_slice %arg4[%dma_start3A_497, %dma_start3A_498] : memref<56x1024xf32, #tpu.memory_space<vmem>> -> memref<32x1024xf32, #tpu.memory_space<vmem>>
    tpu.enqueue_dma source(%dma_start3A_499 : memref<32x1024xf32, #tpu.memory_space<vmem>>) target(%dma_start3A_496 : memref<32x1024xf32, #tpu.memory_space<hbm>>) target_semaphore(%arg7 : memref<!tpu.dma_semaphore, #tpu.memory_space<semaphore_mem>>)
    %dma_start3A_500 = arith.constant 1 : i32
    %dma_start3A_501 = arith.constant 0 : i32
    %dma_start3A_502 = arith.constant 0 : i32
    %dma_start3A_503 = tpu.memref_slice %arg4[%dma_start3A_501, %dma_start3A_502] : memref<56x1024xf32, #tpu.memory_space<vmem>> -> memref<32x1024xf32, #tpu.memory_space<vmem>>
    %dma_start3A_504 = arith.constant 0 : i32
    %dma_start3A_505 = tpu.memref_slice %arg3[%add3A_486, %dma_start3A_500, %dma_start3A_504] : memref<8192x4x1024xf32, #tpu.memory_space<hbm>> -> memref<32x1x1024xf32, #tpu.memory_space<hbm>>
    %dma_start3A_506 = tpu.memref_squeeze %dma_start3A_505 : memref<32x1x1024xf32, #tpu.memory_space<hbm>> -> memref<32x1024xf32, #tpu.memory_space<hbm>>
    %dma_start3A_507 = arith.constant 0 : i32
    %dma_start3A_508 = tpu.memref_slice %arg3[%add3A_486, %dma_start3A_500, %dma_start3A_507] : memref<8192x4x1024xf32, #tpu.memory_space<hbm>> -> memref<32x1x1024xf32, #tpu.memory_space<hbm>>
    %dma_start3A_509 = tpu.memref_squeeze %dma_start3A_508 : memref<32x1x1024xf32, #tpu.memory_space<hbm>> -> memref<32x1024xf32, #tpu.memory_space<hbm>>
    %dma_start3A_510 = arith.constant 0 : i32
    %dma_start3A_511 = arith.constant 0 : i32
    %dma_start3A_512 = tpu.memref_slice %arg4[%dma_start3A_510, %dma_start3A_511] : memref<56x1024xf32, #tpu.memory_space<vmem>> -> memref<32x1024xf32, #tpu.memory_space<vmem>>
    tpu.enqueue_dma source(%dma_start3A_512 : memref<32x1024xf32, #tpu.memory_space<vmem>>) target(%dma_start3A_509 : memref<32x1024xf32, #tpu.memory_space<hbm>>) target_semaphore(%arg7 : memref<!tpu.dma_semaphore, #tpu.memory_space<semaphore_mem>>)
    %dma_start3A_513 = arith.constant 2 : i32
    %dma_start3A_514 = arith.constant 0 : i32
    %dma_start3A_515 = arith.constant 0 : i32
    %dma_start3A_516 = tpu.memref_slice %arg4[%dma_start3A_514, %dma_start3A_515] : memref<56x1024xf32, #tpu.memory_space<vmem>> -> memref<32x1024xf32, #tpu.memory_space<vmem>>
    %dma_start3A_517 = arith.constant 0 : i32
    %dma_start3A_518 = tpu.memref_slice %arg3[%add3A_486, %dma_start3A_513, %dma_start3A_517] : memref<8192x4x1024xf32, #tpu.memory_space<hbm>> -> memref<32x1x1024xf32, #tpu.memory_space<hbm>>
    %dma_start3A_519 = tpu.memref_squeeze %dma_start3A_518 : memref<32x1x1024xf32, #tpu.memory_space<hbm>> -> memref<32x1024xf32, #tpu.memory_space<hbm>>
    %dma_start3A_520 = arith.constant 0 : i32
    %dma_start3A_521 = tpu.memref_slice %arg3[%add3A_486, %dma_start3A_513, %dma_start3A_520] : memref<8192x4x1024xf32, #tpu.memory_space<hbm>> -> memref<32x1x1024xf32, #tpu.memory_space<hbm>>
    %dma_start3A_522 = tpu.memref_squeeze %dma_start3A_521 : memref<32x1x1024xf32, #tpu.memory_space<hbm>> -> memref<32x1024xf32, #tpu.memory_space<hbm>>
    %dma_start3A_523 = arith.constant 0 : i32
    %dma_start3A_524 = arith.constant 0 : i32
    %dma_start3A_525 = tpu.memref_slice %arg4[%dma_start3A_523, %dma_start3A_524] : memref<56x1024xf32, #tpu.memory_space<vmem>> -> memref<32x1024xf32, #tpu.memory_space<vmem>>
    tpu.enqueue_dma source(%dma_start3A_525 : memref<32x1024xf32, #tpu.memory_space<vmem>>) target(%dma_start3A_522 : memref<32x1024xf32, #tpu.memory_space<hbm>>) target_semaphore(%arg7 : memref<!tpu.dma_semaphore, #tpu.memory_space<semaphore_mem>>)
    %dma_start3A_526 = arith.constant 3 : i32
    %dma_start3A_527 = arith.constant 0 : i32
    %dma_start3A_528 = arith.constant 0 : i32
    %dma_start3A_529 = tpu.memref_slice %arg4[%dma_start3A_527, %dma_start3A_528] : memref<56x1024xf32, #tpu.memory_space<vmem>> -> memref<32x1024xf32, #tpu.memory_space<vmem>>
    %dma_start3A_530 = arith.constant 0 : i32
    %dma_start3A_531 = tpu.memref_slice %arg3[%add3A_486, %dma_start3A_526, %dma_start3A_530] : memref<8192x4x1024xf32, #tpu.memory_space<hbm>> -> memref<32x1x1024xf32, #tpu.memory_space<hbm>>
    %dma_start3A_532 = tpu.memref_squeeze %dma_start3A_531 : memref<32x1x1024xf32, #tpu.memory_space<hbm>> -> memref<32x1024xf32, #tpu.memory_space<hbm>>
    %dma_start3A_533 = arith.constant 0 : i32
    %dma_start3A_534 = tpu.memref_slice %arg3[%add3A_486, %dma_start3A_526, %dma_start3A_533] : memref<8192x4x1024xf32, #tpu.memory_space<hbm>> -> memref<32x1x1024xf32, #tpu.memory_space<hbm>>
    %dma_start3A_535 = tpu.memref_squeeze %dma_start3A_534 : memref<32x1x1024xf32, #tpu.memory_space<hbm>> -> memref<32x1024xf32, #tpu.memory_space<hbm>>
    %dma_start3A_536 = arith.constant 0 : i32
    %dma_start3A_537 = arith.constant 0 : i32
    %dma_start3A_538 = tpu.memref_slice %arg4[%dma_start3A_536, %dma_start3A_537] : memref<56x1024xf32, #tpu.memory_space<vmem>> -> memref<32x1024xf32, #tpu.memory_space<vmem>>
    tpu.enqueue_dma source(%dma_start3A_538 : memref<32x1024xf32, #tpu.memory_space<vmem>>) target(%dma_start3A_535 : memref<32x1024xf32, #tpu.memory_space<hbm>>) target_semaphore(%arg7 : memref<!tpu.dma_semaphore, #tpu.memory_space<semaphore_mem>>)
    %dma_wait3A_539 = arith.constant 0 : i32
    %dma_wait3A_540 = arith.constant 0 : i32
    %dma_wait3A_541 = arith.constant 0 : i32
    %dma_wait3A_542 = tpu.memref_slice %arg5[%dma_wait3A_540, %dma_wait3A_541] : memref<56x1024xf32, #tpu.memory_space<vmem>> -> memref<56x1024xf32, #tpu.memory_space<vmem>>
    %dma_wait3A_543 = arith.constant 0 : i32
    %dma_wait3A_544 = tpu.memref_slice %arg3[%add3A_422, %dma_wait3A_539, %dma_wait3A_543] : memref<8192x4x1024xf32, #tpu.memory_space<hbm>> -> memref<56x1x1024xf32, #tpu.memory_space<hbm>>
    %dma_wait3A_545 = tpu.memref_squeeze %dma_wait3A_544 : memref<56x1x1024xf32, #tpu.memory_space<hbm>> -> memref<56x1024xf32, #tpu.memory_space<hbm>>
    %dma_wait3A_546 = arith.constant 0 : i32
    %dma_wait3A_547 = tpu.memref_slice %arg3[%add3A_422, %dma_wait3A_539, %dma_wait3A_546] : memref<8192x4x1024xf32, #tpu.memory_space<hbm>> -> memref<56x1x1024xf32, #tpu.memory_space<hbm>>
    %dma_wait3A_548 = tpu.memref_squeeze %dma_wait3A_547 : memref<56x1x1024xf32, #tpu.memory_space<hbm>> -> memref<56x1024xf32, #tpu.memory_space<hbm>>
    %dma_wait3A_549 = arith.constant 0 : i32
    %dma_wait3A_550 = arith.constant 0 : i32
    %dma_wait3A_551 = tpu.memref_slice %arg5[%dma_wait3A_549, %dma_wait3A_550] : memref<56x1024xf32, #tpu.memory_space<vmem>> -> memref<56x1024xf32, #tpu.memory_space<vmem>>
    tpu.wait_dma2 semaphore(%arg8 : memref<!tpu.dma_semaphore, #tpu.memory_space<semaphore_mem>>) src(%dma_wait3A_551 : memref<56x1024xf32, #tpu.memory_space<vmem>>) dst(%dma_wait3A_548 : memref<56x1024xf32, #tpu.memory_space<hbm>>)
    %dma_wait3A_552 = arith.constant 1 : i32
    %dma_wait3A_553 = arith.constant 0 : i32
    %dma_wait3A_554 = arith.constant 0 : i32
    %dma_wait3A_555 = tpu.memref_slice %arg5[%dma_wait3A_553, %dma_wait3A_554] : memref<56x1024xf32, #tpu.memory_space<vmem>> -> memref<56x1024xf32, #tpu.memory_space<vmem>>
    %dma_wait3A_556 = arith.constant 0 : i32
    %dma_wait3A_557 = tpu.memref_slice %arg3[%add3A_422, %dma_wait3A_552, %dma_wait3A_556] : memref<8192x4x1024xf32, #tpu.memory_space<hbm>> -> memref<56x1x1024xf32, #tpu.memory_space<hbm>>
    %dma_wait3A_558 = tpu.memref_squeeze %dma_wait3A_557 : memref<56x1x1024xf32, #tpu.memory_space<hbm>> -> memref<56x1024xf32, #tpu.memory_space<hbm>>
    %dma_wait3A_559 = arith.constant 0 : i32
    %dma_wait3A_560 = tpu.memref_slice %arg3[%add3A_422, %dma_wait3A_552, %dma_wait3A_559] : memref<8192x4x1024xf32, #tpu.memory_space<hbm>> -> memref<56x1x1024xf32, #tpu.memory_space<hbm>>
    %dma_wait3A_561 = tpu.memref_squeeze %dma_wait3A_560 : memref<56x1x1024xf32, #tpu.memory_space<hbm>> -> memref<56x1024xf32, #tpu.memory_space<hbm>>
    %dma_wait3A_562 = arith.constant 0 : i32
    %dma_wait3A_563 = arith.constant 0 : i32
    %dma_wait3A_564 = tpu.memref_slice %arg5[%dma_wait3A_562, %dma_wait3A_563] : memref<56x1024xf32, #tpu.memory_space<vmem>> -> memref<56x1024xf32, #tpu.memory_space<vmem>>
    tpu.wait_dma2 semaphore(%arg8 : memref<!tpu.dma_semaphore, #tpu.memory_space<semaphore_mem>>) src(%dma_wait3A_564 : memref<56x1024xf32, #tpu.memory_space<vmem>>) dst(%dma_wait3A_561 : memref<56x1024xf32, #tpu.memory_space<hbm>>)
    %dma_wait3A_565 = arith.constant 2 : i32
    %dma_wait3A_566 = arith.constant 0 : i32
    %dma_wait3A_567 = arith.constant 0 : i32
    %dma_wait3A_568 = tpu.memref_slice %arg5[%dma_wait3A_566, %dma_wait3A_567] : memref<56x1024xf32, #tpu.memory_space<vmem>> -> memref<56x1024xf32, #tpu.memory_space<vmem>>
    %dma_wait3A_569 = arith.constant 0 : i32
    %dma_wait3A_570 = tpu.memref_slice %arg3[%add3A_422, %dma_wait3A_565, %dma_wait3A_569] : memref<8192x4x1024xf32, #tpu.memory_space<hbm>> -> memref<56x1x1024xf32, #tpu.memory_space<hbm>>
    %dma_wait3A_571 = tpu.memref_squeeze %dma_wait3A_570 : memref<56x1x1024xf32, #tpu.memory_space<hbm>> -> memref<56x1024xf32, #tpu.memory_space<hbm>>
    %dma_wait3A_572 = arith.constant 0 : i32
    %dma_wait3A_573 = tpu.memref_slice %arg3[%add3A_422, %dma_wait3A_565, %dma_wait3A_572] : memref<8192x4x1024xf32, #tpu.memory_space<hbm>> -> memref<56x1x1024xf32, #tpu.memory_space<hbm>>
    %dma_wait3A_574 = tpu.memref_squeeze %dma_wait3A_573 : memref<56x1x1024xf32, #tpu.memory_space<hbm>> -> memref<56x1024xf32, #tpu.memory_space<hbm>>
    %dma_wait3A_575 = arith.constant 0 : i32
    %dma_wait3A_576 = arith.constant 0 : i32
    %dma_wait3A_577 = tpu.memref_slice %arg5[%dma_wait3A_575, %dma_wait3A_576] : memref<56x1024xf32, #tpu.memory_space<vmem>> -> memref<56x1024xf32, #tpu.memory_space<vmem>>
    tpu.wait_dma2 semaphore(%arg8 : memref<!tpu.dma_semaphore, #tpu.memory_space<semaphore_mem>>) src(%dma_wait3A_577 : memref<56x1024xf32, #tpu.memory_space<vmem>>) dst(%dma_wait3A_574 : memref<56x1024xf32, #tpu.memory_space<hbm>>)
    %dma_wait3A_578 = arith.constant 3 : i32
    %dma_wait3A_579 = arith.constant 0 : i32
    %dma_wait3A_580 = arith.constant 0 : i32
    %dma_wait3A_581 = tpu.memref_slice %arg5[%dma_wait3A_579, %dma_wait3A_580] : memref<56x1024xf32, #tpu.memory_space<vmem>> -> memref<56x1024xf32, #tpu.memory_space<vmem>>
    %dma_wait3A_582 = arith.constant 0 : i32
    %dma_wait3A_583 = tpu.memref_slice %arg3[%add3A_422, %dma_wait3A_578, %dma_wait3A_582] : memref<8192x4x1024xf32, #tpu.memory_space<hbm>> -> memref<56x1x1024xf32, #tpu.memory_space<hbm>>
    %dma_wait3A_584 = tpu.memref_squeeze %dma_wait3A_583 : memref<56x1x1024xf32, #tpu.memory_space<hbm>> -> memref<56x1024xf32, #tpu.memory_space<hbm>>
    %dma_wait3A_585 = arith.constant 0 : i32
    %dma_wait3A_586 = tpu.memref_slice %arg3[%add3A_422, %dma_wait3A_578, %dma_wait3A_585] : memref<8192x4x1024xf32, #tpu.memory_space<hbm>> -> memref<56x1x1024xf32, #tpu.memory_space<hbm>>
    %dma_wait3A_587 = tpu.memref_squeeze %dma_wait3A_586 : memref<56x1x1024xf32, #tpu.memory_space<hbm>> -> memref<56x1024xf32, #tpu.memory_space<hbm>>
    %dma_wait3A_588 = arith.constant 0 : i32
    %dma_wait3A_589 = arith.constant 0 : i32
    %dma_wait3A_590 = tpu.memref_slice %arg5[%dma_wait3A_588, %dma_wait3A_589] : memref<56x1024xf32, #tpu.memory_space<vmem>> -> memref<56x1024xf32, #tpu.memory_space<vmem>>
    tpu.wait_dma2 semaphore(%arg8 : memref<!tpu.dma_semaphore, #tpu.memory_space<semaphore_mem>>) src(%dma_wait3A_590 : memref<56x1024xf32, #tpu.memory_space<vmem>>) dst(%dma_wait3A_587 : memref<56x1024xf32, #tpu.memory_space<hbm>>)
    %dma_wait3A_591 = arith.constant 0 : i32
    %dma_wait3A_592 = arith.constant 0 : i32
    %dma_wait3A_593 = arith.constant 0 : i32
    %dma_wait3A_594 = tpu.memref_slice %arg4[%dma_wait3A_592, %dma_wait3A_593] : memref<56x1024xf32, #tpu.memory_space<vmem>> -> memref<32x1024xf32, #tpu.memory_space<vmem>>
    %dma_wait3A_595 = arith.constant 0 : i32
    %dma_wait3A_596 = tpu.memref_slice %arg3[%add3A_486, %dma_wait3A_591, %dma_wait3A_595] : memref<8192x4x1024xf32, #tpu.memory_space<hbm>> -> memref<32x1x1024xf32, #tpu.memory_space<hbm>>
    %dma_wait3A_597 = tpu.memref_squeeze %dma_wait3A_596 : memref<32x1x1024xf32, #tpu.memory_space<hbm>> -> memref<32x1024xf32, #tpu.memory_space<hbm>>
    %dma_wait3A_598 = arith.constant 0 : i32
    %dma_wait3A_599 = tpu.memref_slice %arg3[%add3A_486, %dma_wait3A_591, %dma_wait3A_598] : memref<8192x4x1024xf32, #tpu.memory_space<hbm>> -> memref<32x1x1024xf32, #tpu.memory_space<hbm>>
    %dma_wait3A_600 = tpu.memref_squeeze %dma_wait3A_599 : memref<32x1x1024xf32, #tpu.memory_space<hbm>> -> memref<32x1024xf32, #tpu.memory_space<hbm>>
    %dma_wait3A_601 = arith.constant 0 : i32
    %dma_wait3A_602 = arith.constant 0 : i32
    %dma_wait3A_603 = tpu.memref_slice %arg4[%dma_wait3A_601, %dma_wait3A_602] : memref<56x1024xf32, #tpu.memory_space<vmem>> -> memref<32x1024xf32, #tpu.memory_space<vmem>>
    tpu.wait_dma2 semaphore(%arg7 : memref<!tpu.dma_semaphore, #tpu.memory_space<semaphore_mem>>) src(%dma_wait3A_603 : memref<32x1024xf32, #tpu.memory_space<vmem>>) dst(%dma_wait3A_600 : memref<32x1024xf32, #tpu.memory_space<hbm>>)
    %dma_wait3A_604 = arith.constant 1 : i32
    %dma_wait3A_605 = arith.constant 0 : i32
    %dma_wait3A_606 = arith.constant 0 : i32
    %dma_wait3A_607 = tpu.memref_slice %arg4[%dma_wait3A_605, %dma_wait3A_606] : memref<56x1024xf32, #tpu.memory_space<vmem>> -> memref<32x1024xf32, #tpu.memory_space<vmem>>
    %dma_wait3A_608 = arith.constant 0 : i32
    %dma_wait3A_609 = tpu.memref_slice %arg3[%add3A_486, %dma_wait3A_604, %dma_wait3A_608] : memref<8192x4x1024xf32, #tpu.memory_space<hbm>> -> memref<32x1x1024xf32, #tpu.memory_space<hbm>>
    %dma_wait3A_610 = tpu.memref_squeeze %dma_wait3A_609 : memref<32x1x1024xf32, #tpu.memory_space<hbm>> -> memref<32x1024xf32, #tpu.memory_space<hbm>>
    %dma_wait3A_611 = arith.constant 0 : i32
    %dma_wait3A_612 = tpu.memref_slice %arg3[%add3A_486, %dma_wait3A_604, %dma_wait3A_611] : memref<8192x4x1024xf32, #tpu.memory_space<hbm>> -> memref<32x1x1024xf32, #tpu.memory_space<hbm>>
    %dma_wait3A_613 = tpu.memref_squeeze %dma_wait3A_612 : memref<32x1x1024xf32, #tpu.memory_space<hbm>> -> memref<32x1024xf32, #tpu.memory_space<hbm>>
    %dma_wait3A_614 = arith.constant 0 : i32
    %dma_wait3A_615 = arith.constant 0 : i32
    %dma_wait3A_616 = tpu.memref_slice %arg4[%dma_wait3A_614, %dma_wait3A_615] : memref<56x1024xf32, #tpu.memory_space<vmem>> -> memref<32x1024xf32, #tpu.memory_space<vmem>>
    tpu.wait_dma2 semaphore(%arg7 : memref<!tpu.dma_semaphore, #tpu.memory_space<semaphore_mem>>) src(%dma_wait3A_616 : memref<32x1024xf32, #tpu.memory_space<vmem>>) dst(%dma_wait3A_613 : memref<32x1024xf32, #tpu.memory_space<hbm>>)
    %dma_wait3A_617 = arith.constant 2 : i32
    %dma_wait3A_618 = arith.constant 0 : i32
    %dma_wait3A_619 = arith.constant 0 : i32
    %dma_wait3A_620 = tpu.memref_slice %arg4[%dma_wait3A_618, %dma_wait3A_619] : memref<56x1024xf32, #tpu.memory_space<vmem>> -> memref<32x1024xf32, #tpu.memory_space<vmem>>
    %dma_wait3A_621 = arith.constant 0 : i32
    %dma_wait3A_622 = tpu.memref_slice %arg3[%add3A_486, %dma_wait3A_617, %dma_wait3A_621] : memref<8192x4x1024xf32, #tpu.memory_space<hbm>> -> memref<32x1x1024xf32, #tpu.memory_space<hbm>>
    %dma_wait3A_623 = tpu.memref_squeeze %dma_wait3A_622 : memref<32x1x1024xf32, #tpu.memory_space<hbm>> -> memref<32x1024xf32, #tpu.memory_space<hbm>>
    %dma_wait3A_624 = arith.constant 0 : i32
    %dma_wait3A_625 = tpu.memref_slice %arg3[%add3A_486, %dma_wait3A_617, %dma_wait3A_624] : memref<8192x4x1024xf32, #tpu.memory_space<hbm>> -> memref<32x1x1024xf32, #tpu.memory_space<hbm>>
    %dma_wait3A_626 = tpu.memref_squeeze %dma_wait3A_625 : memref<32x1x1024xf32, #tpu.memory_space<hbm>> -> memref<32x1024xf32, #tpu.memory_space<hbm>>
    %dma_wait3A_627 = arith.constant 0 : i32
    %dma_wait3A_628 = arith.constant 0 : i32
    %dma_wait3A_629 = tpu.memref_slice %arg4[%dma_wait3A_627, %dma_wait3A_628] : memref<56x1024xf32, #tpu.memory_space<vmem>> -> memref<32x1024xf32, #tpu.memory_space<vmem>>
    tpu.wait_dma2 semaphore(%arg7 : memref<!tpu.dma_semaphore, #tpu.memory_space<semaphore_mem>>) src(%dma_wait3A_629 : memref<32x1024xf32, #tpu.memory_space<vmem>>) dst(%dma_wait3A_626 : memref<32x1024xf32, #tpu.memory_space<hbm>>)
    %dma_wait3A_630 = arith.constant 3 : i32
    %dma_wait3A_631 = arith.constant 0 : i32
    %dma_wait3A_632 = arith.constant 0 : i32
    %dma_wait3A_633 = tpu.memref_slice %arg4[%dma_wait3A_631, %dma_wait3A_632] : memref<56x1024xf32, #tpu.memory_space<vmem>> -> memref<32x1024xf32, #tpu.memory_space<vmem>>
    %dma_wait3A_634 = arith.constant 0 : i32
    %dma_wait3A_635 = tpu.memref_slice %arg3[%add3A_486, %dma_wait3A_630, %dma_wait3A_634] : memref<8192x4x1024xf32, #tpu.memory_space<hbm>> -> memref<32x1x1024xf32, #tpu.memory_space<hbm>>
    %dma_wait3A_636 = tpu.memref_squeeze %dma_wait3A_635 : memref<32x1x1024xf32, #tpu.memory_space<hbm>> -> memref<32x1024xf32, #tpu.memory_space<hbm>>
    %dma_wait3A_637 = arith.constant 0 : i32
    %dma_wait3A_638 = tpu.memref_slice %arg3[%add3A_486, %dma_wait3A_630, %dma_wait3A_637] : memref<8192x4x1024xf32, #tpu.memory_space<hbm>> -> memref<32x1x1024xf32, #tpu.memory_space<hbm>>
    %dma_wait3A_639 = tpu.memref_squeeze %dma_wait3A_638 : memref<32x1x1024xf32, #tpu.memory_space<hbm>> -> memref<32x1024xf32, #tpu.memory_space<hbm>>
    %dma_wait3A_640 = arith.constant 0 : i32
    %dma_wait3A_641 = arith.constant 0 : i32
    %dma_wait3A_642 = tpu.memref_slice %arg4[%dma_wait3A_640, %dma_wait3A_641] : memref<56x1024xf32, #tpu.memory_space<vmem>> -> memref<32x1024xf32, #tpu.memory_space<vmem>>
    tpu.wait_dma2 semaphore(%arg7 : memref<!tpu.dma_semaphore, #tpu.memory_space<semaphore_mem>>) src(%dma_wait3A_642 : memref<32x1024xf32, #tpu.memory_space<vmem>>) dst(%dma_wait3A_639 : memref<32x1024xf32, #tpu.memory_space<hbm>>)
    return
  }
}

</mosaic_0001>

<sc_bundles>
// kernel: kernel.3.cloned.1.call-start
scs
__scs_entry_jumppad:
0x0: {  	(pc) =	sbr.rel $0x88, $3  }
0x1: {  	(tag) =	ssettag $0x0;
	lr =	simm.s32 $0x1  }
0x2: {  	[smem:$0x3FA0] =	sst lr;
	_ =	strace $0xD0000000  }
0x3: {  	_ = 	snop  }
0x4: {  	_ = 	snop  }
0x5: {  	_ = 	snop  }
0x6: {  	_ = 	snop  }
0x7: {  	_ = 	snop  }
__scs_overlays_trampoline_lowered:
0x8: {  	[smem:$0x3FAF] =	sst s0  }
0x9: {  	[smem:$0x3FB0] =	sst s1  }
0xa: {  	[smem:$0x3FB1] =	sst s2  }
0xb: {  	[smem:$0x3FB2] =	sst s3  }
0xc: {  	[smem:$0x3FB3] =	sst s4  }
0xd: {  	[smem:$0x3FB4] =	sst s5  }
0xe: {  	[smem:$0x3FB5] =	sst s6  }
0xf: {  	[smem:$0x3FB6] =	sst s7  }
0x10: {  	[smem:$0x3FB7] =	sst s8  }
0x11: {  	[smem:$0x3FB8] =	sst s9;
	s0 =	simm.s32 @!p0 $0x0  }
0x12: {  	s1 =	sld [smem:$0x3F9E];
	s0 =	simm.s32 @p0 $0x1  }
0x13: {  	[smem:$0x3FB9] =	sst s0;
	s0 =	simm.s32 @!p1 $0x0  }
0x14: {  	s2 =	sld [smem:$0x3F9D];
	s0 =	simm.s32 @p1 $0x1  }
0x15: {  	[smem:$0x3FBA] =	sst s0;
	s0 =	simm.s32 @!p2 $0x0  }
0x16: {  	s3 =	sld [smem:$0x3FDB];
	s0 =	simm.s32 @p2 $0x1  }
0x17: {  	s4 =	simm.s32 $0x1BF5;
	[smem:$0x3FBC] =	sst s0  }
0x18: {  	s0 =	sld [smem:$0x3F9F];
	_ =	swait.ge [sflag:s4], $0x0  }
0x19: {  	s7 =	sld [smem:$0x3FA0]  }
0x1a: {  	s8 =	sadd.s32 $0xFFFFE003, lr  }
0x1b: {  	s9 =	sadd.s32 $0xFFFFFEF7, lr;
	s5 =	simm.s32 $0xFFFFFFFF;
	p2 =	slt.u32 s8, $0xFFFFF086  }
0x1c: {  	p1 =	slt.u32 s9, $0xF7A;
	s5 =	simm.s32 @!p2 $0x0  }
0x1d: {  	s5 =	simm.s32 @p1 $0x1;
	p0 =	seq.s32 s7, s2  }
0x1e: {  	s7 =	smul.u32 @!p0 $0xF7A, s2;
	p2 =	seq.s32 @!p0 s5, $0x0  }
0x1f: {  	s9 =	smul.u32 $0xF7A, s1;
	s8 =	simm.s32 @!p0 $0x1BF5;
	p2 =	por !p2, p0  }
0x20: {  	[sflag:s8] =	ssyncset.s32 @!p0 $0xFFFFF086;
	s6 =	sadd.s32 @!p0 s3, s7;
	s7 =	simm.s32 @!p0 $0x108  }
0x21: {  	s3 =	sadd.s32 s3, s9;
	s6 =	sadd.s32 @!p0 $0x88, s6;
	s7 =	simm.s32 @p2 $0x1082  }
0x22: {  	[simem:s7], [sflag:s8] =	dma.local @!p0 [hbm:s6], $0xF7A  }
0x23: {  	s9 =	sor.u32 $0xD0000000, s2;
	s6 =	simm.s32 $0x108;
	_ =	swait.ge @!p0 [sflag:s8], $0x0  }
0x24: {  	s3 =	sadd.s32 $0x88, s3;
	s6 =	simm.s32 @!p1 $0x1082;
	[sflag:s4] =	ssyncset.s32 $0xFFFFF086  }
0x25: {  	[simem:s6], [sflag:s4] =	dma.local [hbm:s3], $0xF7A  }
0x26: {  	[smem:$0x3FA0] =	sst s1;
	(tag) =	ssettag s2;
	_ =	strace s9  }
0x27: {  	s1 =	sld [smem:$0x3FB0]  }
0x28: {  	s2 =	sld [smem:$0x3FB1]  }
0x29: {  	s4 =	sld [smem:$0x3FB3]  }
0x2a: {  	p0 =	seq.s32 s5, $0x0;
	s5 =	sld [smem:$0x3FB4]  }
0x2b: {  	s6 =	sld [smem:$0x3FB5]  }
0x2c: {  	s7 =	sld [smem:$0x3FB6]  }
0x2d: {  	s3 =	simm.s32 $0x108;
	s8 =	sld [smem:$0x3FB7]  }
0x2e: {  	s3 =	simm.s32 @!p0 $0x1082;
	s9 =	sld [smem:$0x3FB8]  }
0x2f: {  	lr =	sadd.s32 s0, s3;
	s0 =	sld [smem:$0x3FAF]  }
0x30: {  	s3 =	sld [smem:$0x3FB2]  }
0x31: {  	[smem:$0x3FBB] =	sst s10  }
0x32: {  	s10 =	sld [smem:$0x3FB9];
	_ =	sdelay $0x3  }
0x33: {  	p0 =	seq.s32 s10, $0x1;
	s10 =	sld [smem:$0x3FBB];
	_ =	sdelay $0x3  }
0x34: {  	[smem:$0x3FBB] =	sst s10  }
0x35: {  	s10 =	sld [smem:$0x3FBA];
	_ =	sdelay $0x3  }
0x36: {  	p1 =	seq.s32 s10, $0x1;
	s10 =	sld [smem:$0x3FBB];
	_ =	sdelay $0x3  }
0x37: {  	[smem:$0x3FBB] =	sst s10  }
0x38: {  	s10 =	sld [smem:$0x3FBC]  }
0x39: {  	_ = 	snop;
	(pc) =	sbr.ind lr, $3  }
0x3a: {  	_ = 	snop  }
0x3b: {  	_ = 	snop  }
0x3c: {  	p2 =	seq.s32 s10, $0x1;
	s10 =	sld [smem:$0x3FBB]  }
0x3d: {  	_ =	shalt  }
0x3e: {  	_ =	shalt  }
0x3f: {  	_ =	shalt  }
0x40: {  	_ =	shalt  }
0x41: {  	_ =	shalt  }
0x42: {  	_ =	shalt  }
0x43: {  	_ =	shalt  }
0x44: {  	_ =	shalt  }
0x45: {  	_ =	shalt  }
0x46: {  	_ =	shalt  }
0x47: {  	_ =	shalt  }
0x48: {  	_ =	shalt  }
0x49: {  	_ =	shalt  }
0x4a: {  	_ =	shalt  }
0x4b: {  	_ =	shalt  }
0x4c: {  	_ =	shalt  }
0x4d: {  	_ =	shalt  }
0x4e: {  	_ =	shalt  }
0x4f: {  	_ =	shalt  }
0x50: {  	_ =	shalt  }
0x51: {  	_ =	shalt  }
0x52: {  	_ =	shalt  }
0x53: {  	_ =	shalt  }
0x54: {  	_ =	shalt  }
0x55: {  	_ =	shalt  }
0x56: {  	_ =	shalt  }
0x57: {  	_ =	shalt  }
0x58: {  	_ =	shalt  }
0x59: {  	_ =	shalt  }
0x5a: {  	_ =	shalt  }
0x5b: {  	_ =	shalt  }
0x5c: {  	_ =	shalt  }
0x5d: {  	_ =	shalt  }
0x5e: {  	_ =	shalt  }
0x5f: {  	_ =	shalt  }
0x60: {  	_ =	shalt  }
0x61: {  	_ =	shalt  }
0x62: {  	_ =	shalt  }
0x63: {  	_ =	shalt  }
0x64: {  	_ =	shalt  }
0x65: {  	_ =	shalt  }
0x66: {  	_ =	shalt  }
0x67: {  	_ =	shalt  }
0x68: {  	_ =	shalt  }
0x69: {  	_ =	shalt  }
0x6a: {  	_ =	shalt  }
0x6b: {  	_ =	shalt  }
0x6c: {  	_ =	shalt  }
0x6d: {  	_ =	shalt  }
0x6e: {  	_ =	shalt  }
0x6f: {  	_ =	shalt  }
0x70: {  	_ =	shalt  }
0x71: {  	_ =	shalt  }
0x72: {  	_ =	shalt  }
0x73: {  	_ =	shalt  }
0x74: {  	_ =	shalt  }
0x75: {  	_ =	shalt  }
0x76: {  	_ =	shalt  }
0x77: {  	_ =	shalt  }
0x78: {  	_ =	shalt  }
0x79: {  	_ =	shalt  }
0x7a: {  	_ =	shalt  }
0x7b: {  	_ =	shalt  }
0x7c: {  	_ =	shalt  }
0x7d: {  	_ =	shalt  }
0x7e: {  	_ =	shalt  }
0x7f: {  	_ =	shalt  }
0x80: {  	_ =	shalt  }
0x81: {  	_ =	shalt  }
0x82: {  	_ =	shalt  }
0x83: {  	_ =	shalt  }
0x84: {  	_ =	shalt  }
0x85: {  	_ =	shalt  }
0x86: {  	_ =	shalt  }
0x87: {  	_ =	shalt  }
.Lfunc_end0:
.L_simem_size_0:
called_computation_lowered:
.L_overlay_start_0:
0x88: {  	s2 =	sld [smem:$0x3FD9]  }
0x89: {  	s3 =	sld [smem:$0x3FFE];
	_ =	sdelay $0x1  }
0x8a: {  	s1 =	srdreg.scid  }
0x8b: {  	s0 =	sand.u32 $0x1, s1  }
0x8c: {  	s18 =	sshll.u32 s0, $0xA;
	s2 =	sadd.s32 s3, s2  }
0x8d: {  	s2 =	sadd.s32 s2, s18  }
0x8e: {  	[smem:$0x3FC7] =	sst s2  }
0x8f: {  	_ = 	snop  }
0x90: {  	s2 =	sld [smem:$0x3FC9]  }
0x91: {  	s19 =	sld [smem:$0x3FD0];
	(tm) =	ssettm $0x1  }
0x92: {  	s4 =	sld [smem:$0x3FFB];
	_ =	sdelay $0x3  }
0x93: {  	_ =	strace s4  }
0x94: {  	s4 =	sld [smem:$0x3FFC];
	_ =	sdelay $0x3  }
0x95: {  	_ =	strace s4  }
0x96: {  	s4 =	sld [smem:$0x3FFD];
	_ =	sdelay $0x3  }
0x97: {  	_ =	strace s4  }
0x98: {  	_ =	strace $0x8FFFFFFF  }
0x99: {  	s20 =	sld [smem:$0x3FDB];
	_ =	sdelay $0x1  }
0x9a: {  	s5 =	simm.s32 $_scs_section_size  }
0x9b: {  	s6 =	simm.s32 $_size__tile_overlayer_lowered;
	s7 =	simm.s32 $_tile_overlayer_lowered  }
0x9c: {  	s23 =	simm.s32 $0x1BFF;
	s22 =	sshll.u32 s7, $0x1;
	s4 =	sadd.s32 s5, s20  }
0x9d: {  	s8 =	simm.s32 $0x0;
	s21 =	sshll.u32 s6, $0x1;
	s6 =	sadd.s32 s22, s4  }
0x9e: {  	[timem:s8], [sflag:s23] =	dma.local [hbm:s6], s21  }
0x9f: {  	_ =	swait.ge [sflag:s23], s21  }
0xa0: {  	s5 =	ssub.s32 $0x0, s21;
	[sflag:s23] =	ssyncset.done $0x0  }
0xa1: {  	[sflag:s23] =	ssyncadd.s32 s5;
	_ =	sdelay $0x1  }
0xa2: {  	s24 =	simm.s32 $0x1B8B  }
0xa3: {  	_ =	swait.ge [sflag:s24], $0x1  }
0xa4: {  	[sflag:s24] =	ssyncset.done $0x0  }
0xa5: {  	s25 =	simm.s32 $0x1B8E;
	[sflag:s24] =	ssyncadd.s32 $0xFFFFFFFF  }
0xa6: {  	s26 =	simm.s32 $execute0_lowered;
	[smem:$0x3FD2] =	sst s25  }
0xa7: {  	s5 =	sshll.u32 s26, $0x1;
	_ =	strace $0x80000046;
	[dreg:$0x1] =	wrdreg $0xFFFFFFFF  }
0xa8: {  	s28 =	simm.s32 $_size_execute0_lowered;
	s4 =	sadd.s32 s4, s5;
	[dreg:$0x0] =	wrdreg $0x0  }
0xa9: {  	s5 =	sshll.u32 s28, $0x1;
	[dreg:$0x2] =	wrdreg s4  }
0xaa: {  	[dreg:$0x3] =	wrdreg s5  }
0xab: {  	[dreg:$0x4] =	wrdreg $0xC0  }
0xac: {  	_ =	task [dreg:s8], $0x5FFFF  }
0xad: {  	[dreg:$0x1] =	wrdreg $0xFFFFFFFF  }
0xae: {  	[dreg:$0x0] =	wrdreg $0x60  }
0xaf: {  	[dreg:$0x2] =	wrdreg s2  }
0xb0: {  	[dreg:$0x3] =	wrdreg s19  }
0xb1: {  	[dreg:$0x4] =	wrdreg $0x9  }
0xb2: {  	_ =	task.clear_ibuf [dreg:s8], $0x5FFFF;
	_ =	strace $0x90000046  }
0xb3: {  	s29 =	simm.s32 $0x9;
	_ =	strace $0x80000048  }
0xb4: {  	_ =	swait.ge [sflag:s29], $0x1  }
0xb5: {  	[sflag:s29] =	ssyncadd.s32 $0xFFFFFFFF  }
0xb6: {  	_ =	strace $0x90000048  }
0xb7: {  	_ =	sfence  }
0xb8: {  	s30 =	sld [smem:$0x0];
	_ =	sdelay $0x2  }
0xb9: {  	s31 =	sshll.u32 s1, $0xD;
	s1 =	sshrl.u32 s1, $0x2  }
0xba: {  	s3 =	sand.u32 $0x4000, s31;
	s1 =	sadd.s32 s1, s30  }
0xbb: {  	s0 =	sor.u32 s3, s0;
	s1 =	sshll.u32 s1, $0x11  }
0xbc: {  	s0 =	sor.u32 s1, s0  }
0xbd: {  	s0 =	sadd.s32 $0x8F2B, s0  }
0xbe: {  	[sflag:s0] =	ssyncadd.remote.s32 $0x1  }
0xbf: {  	_ =	sfence.sel $0xFFFF  }
0xc0: {  	[dreg:$0x0] =	wrdreg $0xFFFFFFFF;
	(pc) =	sbr.abs _section_cstart, $3  }
0xc1: {  	[dreg:$0x1] =	wrdreg $0xFFFFFFFF  }
0xc2: {  	_ =	task.clear_ibuf [dreg:s8], $0x2FFFF;
	_ =	strace $0x9FFFFFFF  }
0xc3: {  	(tm) =	ssettm $0x7FFFFFFF  }
tec
execute0_lowered:
.L_overlay_start_1:
0x0: {  	(tag) =	ssettag $0x1  }
0x1: {  	s0 =	rddreg [dreg:$0x0];
	s1 =	srdreg.scid  }
0x2: {  	s3 =	stileid.u32;
	s2 =	rddreg [dreg:$0x1]  }
0x3: {  	s5 =	simm.s32 $0x0;
	s30 =	simm.s32 $0x1;
	s1 =	sand.u32 $0x1, s1  }
0x4: {  	s3 =	sshll.u32 s3, $0x1;
	[smem:$0x7FF] =	sst s5;
	s13 =	sadd.s32 $0x10, s2  }
0x5: {  	s15 =	sadd.s32 $0x20, s2;
	s4 =	ssub.s32 $0x2, s1;
	s1 =	sor.u32 s1, s3  }
0x6: {  	s22 =	sshrl.u32 s4, $0x1;
	s8 =	sshll.u32 s1, $0x8;
	s23 =	sshll.u32 s1, $0xF  }
0x7: {  	s7 =	sshll.u32 s1, $0x11;
	p0 =	sne.s32 s1, $0x0;
	s3 =	ssub.s32 s4, s22  }
0x8: {  	s9 =	sor.u32 $0x38, s8;
	s4 =	sadd.s32 s0, s23;
	s5 =	sadd.s32 s7, s13  }
0x9: {  	s14 =	sor.u32 $0x70, s8;
	s6 =	sadd.s32 s7, s15;
	s23 =	sadd.s32 $0x30, s2  }
0xa: {  	s17 =	sor.u32 $0xA8, s8;
	s8 =	sor.u32 $0xE0, s8;
	[dreg:$0x3] =	wrdreg s4  }
0xb: {  	s24 =	sshll.u32 s9, $0x7;
	s10 =	sshll.u32 s14, $0x7;
	s12 =	sshll.u32 s9, $0x9  }
0xc: {  	s16 =	sshll.u32 s17, $0x7;
	s18 =	sshll.u32 s14, $0x9;
	s19 =	sshll.u32 s8, $0x7  }
0xd: {  	s26 =	sshll.u32 s17, $0x9;
	s29 =	sshll.u32 s8, $0x9;
	s31 =	smax.u32 s3, $0x1  }
0xe: {  	s3 =	simm.s32 $0x3;
	s8 =	simm.s32 $0x0;
	s4 =	sadd.s32 s0, s24  }
0xf: {  	s10 =	sadd.s32 s0, s10;
	s9 =	sadd.s32 s2, s12;
	s11 =	sadd.s32 s12, s15  }
0x10: {  	s25 =	sadd.s32 s0, s16;
	s14 =	sadd.s32 s2, s18;
	s0 =	sadd.s32 s0, s19  }
0x11: {  	s16 =	sadd.s32 s18, s13;
	s17 =	sadd.s32 s18, s15;
	s18 =	sadd.s32 s18, s23  }
0x12: {  	s19 =	sadd.s32 s2, s26;
	s20 =	sadd.s32 s26, s13;
	s21 =	sadd.s32 s26, s15  }
0x13: {  	s22 =	sadd.s32 s26, s23;
	s24 =	sadd.s32 s2, s29;
	[dreg:$0x4] =	wrdreg s4  }
0x14: {  	s26 =	sadd.s32 s29, s15;
	s28 =	sadd.s32 s29, s23;
	[dreg:$0x5] =	wrdreg s10  }
0x15: {  	s4 =	sadd.s32 s2, s7;
	s7 =	sadd.s32 s7, s23;
	[dreg:$0x6] =	wrdreg s25  }
0x16: {  	s10 =	sadd.s32 s12, s13;
	s12 =	sadd.s32 s12, s23;
	[dreg:$0x7] =	wrdreg s0  }
0x17: {  	s25 =	sadd.s32 s29, s13;
	s23 =	simm.s32 $0x80;
	s0 =	simm.s32 $0x1000  }
0x18: {  	v0 =	vimm.f32 $0.0e+00;
	s2 =	simm.s32 $0x2;
	_ =	strace $0x80000047;
	[dreg:$0x8] =	wrdreg s31  }
.LBB2_1:
0x19: {  	[dreg:$0x9] =	wrdreg s8  }
.Ltmp0:
0x1a: {  	s1 =	simm.s32 $0x0;
	s31 =	rddreg [dreg:$0x3];
	(pc) =	sbr.rel @p0 .LBB2_4-.Ltmp0, $4  }
0x1b: {  	[tilespmem:s1], [sflag:$0x1] =	stream.linear.gather [hbm4b:s31+s1], $0xE000, $0x38;
	[tilespmem:$0x1C000] =	vst v63  }
0x1c: {  	_ =	swait.ge [sflag:s30], $0xE000  }
0x1d: {  	[sflag:s30] =	ssyncset.done $0x0  }
0x1e: {  	[sflag:s30] =	ssyncadd.s32 $0xFFFF2000  }
0x1f: {  	s8 =	simm.s32 $0x0  }
0x20: {  	s1 =	sand.u32 $0x70, s8;
	s13 =	sand.u32 $0x1C00, s8  }
0x21: {  	s1 =	sor.u32 s1, s13  }
0x22: {  	s15 =	simm.s32 $0x0;
	s13 =	sadd.s32 $0x10, s8;
	[tilespmem:s1+$0x0] =	vst v0  }
.LBB2_3:
0x23: {  	p1 =	sne.s32 s13, $0x3F0  }
.Ltmp1:
0x24: {  	_ = 	snop;
	(pc) =	sbr.rel @p1 .LBB2_3-.Ltmp1, $4  }
0x25: {  	s15 =	sadd.s32 $0x80, s15  }
0x26: {  	s1 =	sand.u32 $0x70, s13;
	s29 =	sand.u32 $0x1C00, s15  }
0x27: {  	s1 =	sor.u32 s1, s29  }
0x28: {  	s13 =	sadd.s32 $0x10, s13;
	[tilespmem:s1+$0x0] =	vst v0  }
.LBB2_4:
0x29: {  	s1 =	simm.s32 $0x0;
	s8 =	rddreg [dreg:$0x4];
	s13 =	simm.s32 $0xE000  }
0x2a: {  	[tilespmem:s13], [sflag:$0x1] =	stream.linear.gather [hbm4b:s8+s1], $0xE000, $0x38;
	[tilespmem:$0x1C000] =	vst v63  }
0x2b: {  	s15 =	simm.s32 $0x0  }
0x2c: {  	[hbm4b:s4+s23] =	stream.strided.scatter [tilespmem:s15], [sflag:$0x2], $0x400, s0, s23, $0x38;
	[tilespmem:$0x1C000] =	vst v63  }
0x2d: {  	s29 =	simm.s32 $0x400;
	s8 =	sadd.s32 $0x40, s4  }
0x2e: {  	[hbm4b:s8+s23] =	stream.strided.scatter [tilespmem:s29], [sflag:$0x2], $0x400, s0, s23, $0x38;
	[tilespmem:$0x1C000] =	vst v63  }
0x2f: {  	s13 =	simm.s32 $0x800;
	s15 =	sadd.s32 $0x80, s4  }
0x30: {  	[hbm4b:s15+s23] =	stream.strided.scatter [tilespmem:s13], [sflag:$0x2], $0x400, s0, s23, $0x38;
	[tilespmem:$0x1C000] =	vst v63  }
0x31: {  	s29 =	simm.s32 $0xC00;
	s8 =	sadd.s32 $0xC0, s4  }
0x32: {  	[hbm4b:s8+s23] =	stream.strided.scatter [tilespmem:s29], [sflag:$0x2], $0x400, s0, s23, $0x38;
	[tilespmem:$0x1C000] =	vst v63  }
0x33: {  	s13 =	simm.s32 $0x1000;
	s15 =	sadd.s32 $0x100, s4  }
0x34: {  	[hbm4b:s15+s23] =	stream.strided.scatter [tilespmem:s13], [sflag:$0x2], $0x400, s0, s23, $0x38;
	[tilespmem:$0x1C000] =	vst v63  }
0x35: {  	s29 =	simm.s32 $0x1400;
	s8 =	sadd.s32 $0x140, s4  }
0x36: {  	[hbm4b:s8+s23] =	stream.strided.scatter [tilespmem:s29], [sflag:$0x2], $0x400, s0, s23, $0x38;
	[tilespmem:$0x1C000] =	vst v63  }
0x37: {  	s31 =	sadd.s32 $0x1000, s4;
	s15 =	simm.s32 $0x1800;
	s29 =	sadd.s32 $0x180, s4  }
0x38: {  	[hbm4b:s29+s23] =	stream.strided.scatter [tilespmem:s15], [sflag:$0x2], $0x400, s0, s23, $0x38;
	[tilespmem:$0x1C000] =	vst v63  }
0x39: {  	s1 =	sadd.s32 $0x1C0, s4;
	s13 =	simm.s32 $0x8000;
	s15 =	simm.s32 $0x1C00  }
.LBB2_5:
0x3a: {  	[hbm4b:s1+s23] =	stream.strided.scatter [tilespmem:s15], [sflag:$0x2], $0x400, s0, s23, $0x38;
	[tilespmem:$0x1C000] =	vst v63  }
0x3b: {  	s1 =	sshra.s32 s13, $0x2;
	p1 =	sne.s32 s13, $0x30000;
	s13 =	sadd.s32 $0x8000, s13  }
0x3c: {  	[hbm4b:s31+s23] =	stream.strided.scatter [tilespmem:s1], [sflag:$0x2], $0x400, s0, s23, $0x38;
	[tilespmem:$0x1C000] =	vst v63  }
0x3d: {  	s29 =	sadd.s32 $0x40, s31;
	s15 =	sadd.s32 $0x400, s1  }
0x3e: {  	[hbm4b:s29+s23] =	stream.strided.scatter [tilespmem:s15], [sflag:$0x2], $0x400, s0, s23, $0x38;
	[tilespmem:$0x1C000] =	vst v63  }
0x3f: {  	s15 =	sadd.s32 $0x800, s1;
	s29 =	sadd.s32 $0x80, s31  }
0x40: {  	[hbm4b:s29+s23] =	stream.strided.scatter [tilespmem:s15], [sflag:$0x2], $0x400, s0, s23, $0x38;
	[tilespmem:$0x1C000] =	vst v63  }
0x41: {  	s15 =	sadd.s32 $0xC00, s1;
	s29 =	sadd.s32 $0xC0, s31  }
0x42: {  	[hbm4b:s29+s23] =	stream.strided.scatter [tilespmem:s15], [sflag:$0x2], $0x400, s0, s23, $0x38;
	[tilespmem:$0x1C000] =	vst v63  }
0x43: {  	s15 =	sadd.s32 $0x1000, s1;
	s29 =	sadd.s32 $0x100, s31  }
0x44: {  	[hbm4b:s29+s23] =	stream.strided.scatter [tilespmem:s15], [sflag:$0x2], $0x400, s0, s23, $0x38;
	[tilespmem:$0x1C000] =	vst v63  }
.Ltmp2:
0x45: {  	s15 =	sadd.s32 $0x1400, s1;
	s29 =	sadd.s32 $0x140, s31;
	(pc) =	sbr.rel @p1 .LBB2_5-.Ltmp2, $4  }
0x46: {  	[hbm4b:s29+s23] =	stream.strided.scatter [tilespmem:s15], [sflag:$0x2], $0x400, s0, s23, $0x38;
	[tilespmem:$0x1C000] =	vst v63  }
0x47: {  	s15 =	sadd.s32 $0x1800, s1;
	s29 =	sadd.s32 $0x180, s31  }
0x48: {  	[hbm4b:s29+s23] =	stream.strided.scatter [tilespmem:s15], [sflag:$0x2], $0x400, s0, s23, $0x38;
	[tilespmem:$0x1C000] =	vst v63  }
0x49: {  	s15 =	sadd.s32 $0x1C00, s1;
	s1 =	sadd.s32 $0x1C0, s31;
	s31 =	sadd.s32 $0x1000, s31  }
0x4a: {  	[hbm4b:s1+s23] =	stream.strided.scatter [tilespmem:s15], [sflag:$0x2], $0x400, s0, s23, $0x38;
	[tilespmem:$0x1C000] =	vst v63  }
0x4b: {  	s29 =	simm.s32 $0x0  }
0x4c: {  	[hbm4b:s5+s23] =	stream.strided.scatter [tilespmem:s29], [sflag:$0x2], $0x400, s0, s23, $0x38;
	[tilespmem:$0x1C000] =	vst v63  }
0x4d: {  	s8 =	simm.s32 $0x400;
	s13 =	sadd.s32 $0x40, s5  }
0x4e: {  	[hbm4b:s13+s23] =	stream.strided.scatter [tilespmem:s8], [sflag:$0x2], $0x400, s0, s23, $0x38;
	[tilespmem:$0x1C000] =	vst v63  }
0x4f: {  	s15 =	sadd.s32 $0x80, s5;
	s13 =	simm.s32 $0x800  }
0x50: {  	[hbm4b:s15+s23] =	stream.strided.scatter [tilespmem:s13], [sflag:$0x2], $0x400, s0, s23, $0x38;
	[tilespmem:$0x1C000] =	vst v63  }
0x51: {  	s29 =	simm.s32 $0xC00;
	s8 =	sadd.s32 $0xC0, s5  }
0x52: {  	[hbm4b:s8+s23] =	stream.strided.scatter [tilespmem:s29], [sflag:$0x2], $0x400, s0, s23, $0x38;
	[tilespmem:$0x1C000] =	vst v63  }
0x53: {  	s13 =	simm.s32 $0x1000;
	s15 =	sadd.s32 $0x100, s5  }
0x54: {  	[hbm4b:s15+s23] =	stream.strided.scatter [tilespmem:s13], [sflag:$0x2], $0x400, s0, s23, $0x38;
	[tilespmem:$0x1C000] =	vst v63  }
0x55: {  	s29 =	simm.s32 $0x1400;
	s8 =	sadd.s32 $0x140, s5  }
0x56: {  	[hbm4b:s8+s23] =	stream.strided.scatter [tilespmem:s29], [sflag:$0x2], $0x400, s0, s23, $0x38;
	[tilespmem:$0x1C000] =	vst v63  }
0x57: {  	s1 =	sadd.s32 $0x1C0, s5;
	s15 =	simm.s32 $0x1800;
	s29 =	sadd.s32 $0x180, s5  }
0x58: {  	[hbm4b:s29+s23] =	stream.strided.scatter [tilespmem:s15], [sflag:$0x2], $0x400, s0, s23, $0x38;
	[tilespmem:$0x1C000] =	vst v63  }
0x59: {  	s31 =	sadd.s32 $0x1000, s5;
	s13 =	simm.s32 $0x8000;
	s15 =	simm.s32 $0x1C00  }
.LBB2_7:
0x5a: {  	[hbm4b:s1+s23] =	stream.strided.scatter [tilespmem:s15], [sflag:$0x2], $0x400, s0, s23, $0x38;
	[tilespmem:$0x1C000] =	vst v63  }
0x5b: {  	s1 =	sshra.s32 s13, $0x2;
	p1 =	sne.s32 s13, $0x30000;
	s13 =	sadd.s32 $0x8000, s13  }
0x5c: {  	[hbm4b:s31+s23] =	stream.strided.scatter [tilespmem:s1], [sflag:$0x2], $0x400, s0, s23, $0x38;
	[tilespmem:$0x1C000] =	vst v63  }
0x5d: {  	s29 =	sadd.s32 $0x40, s31;
	s15 =	sadd.s32 $0x400, s1  }
0x5e: {  	[hbm4b:s29+s23] =	stream.strided.scatter [tilespmem:s15], [sflag:$0x2], $0x400, s0, s23, $0x38;
	[tilespmem:$0x1C000] =	vst v63  }
0x5f: {  	s15 =	sadd.s32 $0x800, s1;
	s29 =	sadd.s32 $0x80, s31  }
0x60: {  	[hbm4b:s29+s23] =	stream.strided.scatter [tilespmem:s15], [sflag:$0x2], $0x400, s0, s23, $0x38;
	[tilespmem:$0x1C000] =	vst v63  }
0x61: {  	s15 =	sadd.s32 $0xC00, s1;
	s29 =	sadd.s32 $0xC0, s31  }
0x62: {  	[hbm4b:s29+s23] =	stream.strided.scatter [tilespmem:s15], [sflag:$0x2], $0x400, s0, s23, $0x38;
	[tilespmem:$0x1C000] =	vst v63  }
0x63: {  	s15 =	sadd.s32 $0x1000, s1;
	s29 =	sadd.s32 $0x100, s31  }
0x64: {  	[hbm4b:s29+s23] =	stream.strided.scatter [tilespmem:s15], [sflag:$0x2], $0x400, s0, s23, $0x38;
	[tilespmem:$0x1C000] =	vst v63  }
.Ltmp3:
0x65: {  	s15 =	sadd.s32 $0x1400, s1;
	s29 =	sadd.s32 $0x140, s31;
	(pc) =	sbr.rel @p1 .LBB2_7-.Ltmp3, $4  }
0x66: {  	[hbm4b:s29+s23] =	stream.strided.scatter [tilespmem:s15], [sflag:$0x2], $0x400, s0, s23, $0x38;
	[tilespmem:$0x1C000] =	vst v63  }
0x67: {  	s15 =	sadd.s32 $0x1800, s1;
	s29 =	sadd.s32 $0x180, s31  }
0x68: {  	[hbm4b:s29+s23] =	stream.strided.scatter [tilespmem:s15], [sflag:$0x2], $0x400, s0, s23, $0x38;
	[tilespmem:$0x1C000] =	vst v63  }
0x69: {  	s15 =	sadd.s32 $0x1C00, s1;
	s1 =	sadd.s32 $0x1C0, s31;
	s31 =	sadd.s32 $0x1000, s31  }
0x6a: {  	[hbm4b:s1+s23] =	stream.strided.scatter [tilespmem:s15], [sflag:$0x2], $0x400, s0, s23, $0x38;
	[tilespmem:$0x1C000] =	vst v63  }
0x6b: {  	s29 =	simm.s32 $0x0  }
0x6c: {  	[hbm4b:s6+s23] =	stream.strided.scatter [tilespmem:s29], [sflag:$0x2], $0x400, s0, s23, $0x38;
	[tilespmem:$0x1C000] =	vst v63  }
0x6d: {  	s8 =	simm.s32 $0x400;
	s13 =	sadd.s32 $0x40, s6  }
0x6e: {  	[hbm4b:s13+s23] =	stream.strided.scatter [tilespmem:s8], [sflag:$0x2], $0x400, s0, s23, $0x38;
	[tilespmem:$0x1C000] =	vst v63  }
0x6f: {  	s15 =	sadd.s32 $0x80, s6;
	s13 =	simm.s32 $0x800  }
0x70: {  	[hbm4b:s15+s23] =	stream.strided.scatter [tilespmem:s13], [sflag:$0x2], $0x400, s0, s23, $0x38;
	[tilespmem:$0x1C000] =	vst v63  }
0x71: {  	s29 =	simm.s32 $0xC00;
	s8 =	sadd.s32 $0xC0, s6  }
0x72: {  	[hbm4b:s8+s23] =	stream.strided.scatter [tilespmem:s29], [sflag:$0x2], $0x400, s0, s23, $0x38;
	[tilespmem:$0x1C000] =	vst v63  }
0x73: {  	s13 =	simm.s32 $0x1000;
	s15 =	sadd.s32 $0x100, s6  }
0x74: {  	[hbm4b:s15+s23] =	stream.strided.scatter [tilespmem:s13], [sflag:$0x2], $0x400, s0, s23, $0x38;
	[tilespmem:$0x1C000] =	vst v63  }
0x75: {  	s29 =	simm.s32 $0x1400;
	s8 =	sadd.s32 $0x140, s6  }
0x76: {  	[hbm4b:s8+s23] =	stream.strided.scatter [tilespmem:s29], [sflag:$0x2], $0x400, s0, s23, $0x38;
	[tilespmem:$0x1C000] =	vst v63  }
0x77: {  	s1 =	sadd.s32 $0x1C0, s6;
	s15 =	simm.s32 $0x1800;
	s29 =	sadd.s32 $0x180, s6  }
0x78: {  	[hbm4b:s29+s23] =	stream.strided.scatter [tilespmem:s15], [sflag:$0x2], $0x400, s0, s23, $0x38;
	[tilespmem:$0x1C000] =	vst v63  }
0x79: {  	s31 =	sadd.s32 $0x1000, s6;
	s13 =	simm.s32 $0x8000;
	s15 =	simm.s32 $0x1C00  }
.LBB2_9:
0x7a: {  	[hbm4b:s1+s23] =	stream.strided.scatter [tilespmem:s15], [sflag:$0x2], $0x400, s0, s23, $0x38;
	[tilespmem:$0x1C000] =	vst v63  }
0x7b: {  	s1 =	sshra.s32 s13, $0x2;
	p1 =	sne.s32 s13, $0x30000;
	s13 =	sadd.s32 $0x8000, s13  }
0x7c: {  	[hbm4b:s31+s23] =	stream.strided.scatter [tilespmem:s1], [sflag:$0x2], $0x400, s0, s23, $0x38;
	[tilespmem:$0x1C000] =	vst v63  }
0x7d: {  	s29 =	sadd.s32 $0x40, s31;
	s15 =	sadd.s32 $0x400, s1  }
0x7e: {  	[hbm4b:s29+s23] =	stream.strided.scatter [tilespmem:s15], [sflag:$0x2], $0x400, s0, s23, $0x38;
	[tilespmem:$0x1C000] =	vst v63  }
0x7f: {  	s15 =	sadd.s32 $0x800, s1;
	s29 =	sadd.s32 $0x80, s31  }
0x80: {  	[hbm4b:s29+s23] =	stream.strided.scatter [tilespmem:s15], [sflag:$0x2], $0x400, s0, s23, $0x38;
	[tilespmem:$0x1C000] =	vst v63  }
0x81: {  	s15 =	sadd.s32 $0xC00, s1;
	s29 =	sadd.s32 $0xC0, s31  }
0x82: {  	[hbm4b:s29+s23] =	stream.strided.scatter [tilespmem:s15], [sflag:$0x2], $0x400, s0, s23, $0x38;
	[tilespmem:$0x1C000] =	vst v63  }
0x83: {  	s15 =	sadd.s32 $0x1000, s1;
	s29 =	sadd.s32 $0x100, s31  }
0x84: {  	[hbm4b:s29+s23] =	stream.strided.scatter [tilespmem:s15], [sflag:$0x2], $0x400, s0, s23, $0x38;
	[tilespmem:$0x1C000] =	vst v63  }
.Ltmp4:
0x85: {  	s15 =	sadd.s32 $0x1400, s1;
	s29 =	sadd.s32 $0x140, s31;
	(pc) =	sbr.rel @p1 .LBB2_9-.Ltmp4, $4  }
0x86: {  	[hbm4b:s29+s23] =	stream.strided.scatter [tilespmem:s15], [sflag:$0x2], $0x400, s0, s23, $0x38;
	[tilespmem:$0x1C000] =	vst v63  }
0x87: {  	s15 =	sadd.s32 $0x1800, s1;
	s29 =	sadd.s32 $0x180, s31  }
0x88: {  	[hbm4b:s29+s23] =	stream.strided.scatter [tilespmem:s15], [sflag:$0x2], $0x400, s0, s23, $0x38;
	[tilespmem:$0x1C000] =	vst v63  }
0x89: {  	s15 =	sadd.s32 $0x1C00, s1;
	s1 =	sadd.s32 $0x1C0, s31;
	s31 =	sadd.s32 $0x1000, s31  }
0x8a: {  	[hbm4b:s1+s23] =	stream.strided.scatter [tilespmem:s15], [sflag:$0x2], $0x400, s0, s23, $0x38;
	[tilespmem:$0x1C000] =	vst v63  }
0x8b: {  	s29 =	simm.s32 $0x0  }
0x8c: {  	[hbm4b:s7+s23] =	stream.strided.scatter [tilespmem:s29], [sflag:$0x2], $0x400, s0, s23, $0x38;
	[tilespmem:$0x1C000] =	vst v63  }
0x8d: {  	s8 =	simm.s32 $0x400;
	s13 =	sadd.s32 $0x40, s7  }
0x8e: {  	[hbm4b:s13+s23] =	stream.strided.scatter [tilespmem:s8], [sflag:$0x2], $0x400, s0, s23, $0x38;
	[tilespmem:$0x1C000] =	vst v63  }
0x8f: {  	s15 =	sadd.s32 $0x80, s7;
	s13 =	simm.s32 $0x800  }
0x90: {  	[hbm4b:s15+s23] =	stream.strided.scatter [tilespmem:s13], [sflag:$0x2], $0x400, s0, s23, $0x38;
	[tilespmem:$0x1C000] =	vst v63  }
0x91: {  	s29 =	simm.s32 $0xC00;
	s8 =	sadd.s32 $0xC0, s7  }
0x92: {  	[hbm4b:s8+s23] =	stream.strided.scatter [tilespmem:s29], [sflag:$0x2], $0x400, s0, s23, $0x38;
	[tilespmem:$0x1C000] =	vst v63  }
0x93: {  	s13 =	simm.s32 $0x1000;
	s15 =	sadd.s32 $0x100, s7  }
0x94: {  	[hbm4b:s15+s23] =	stream.strided.scatter [tilespmem:s13], [sflag:$0x2], $0x400, s0, s23, $0x38;
	[tilespmem:$0x1C000] =	vst v63  }
0x95: {  	s29 =	simm.s32 $0x1400;
	s8 =	sadd.s32 $0x140, s7  }
0x96: {  	[hbm4b:s8+s23] =	stream.strided.scatter [tilespmem:s29], [sflag:$0x2], $0x400, s0, s23, $0x38;
	[tilespmem:$0x1C000] =	vst v63  }
0x97: {  	s1 =	sadd.s32 $0x1C0, s7;
	s15 =	simm.s32 $0x1800;
	s29 =	sadd.s32 $0x180, s7  }
0x98: {  	[hbm4b:s29+s23] =	stream.strided.scatter [tilespmem:s15], [sflag:$0x2], $0x400, s0, s23, $0x38;
	[tilespmem:$0x1C000] =	vst v63  }
0x99: {  	s31 =	sadd.s32 $0x1000, s7;
	s13 =	simm.s32 $0x8000;
	s15 =	simm.s32 $0x1C00  }
.LBB2_11:
0x9a: {  	[hbm4b:s1+s23] =	stream.strided.scatter [tilespmem:s15], [sflag:$0x2], $0x400, s0, s23, $0x38;
	[tilespmem:$0x1C000] =	vst v63  }
0x9b: {  	s1 =	sshra.s32 s13, $0x2;
	p1 =	sne.s32 s13, $0x30000;
	s13 =	sadd.s32 $0x8000, s13  }
0x9c: {  	[hbm4b:s31+s23] =	stream.strided.scatter [tilespmem:s1], [sflag:$0x2], $0x400, s0, s23, $0x38;
	[tilespmem:$0x1C000] =	vst v63  }
0x9d: {  	s29 =	sadd.s32 $0x40, s31;
	s15 =	sadd.s32 $0x400, s1  }
0x9e: {  	[hbm4b:s29+s23] =	stream.strided.scatter [tilespmem:s15], [sflag:$0x2], $0x400, s0, s23, $0x38;
	[tilespmem:$0x1C000] =	vst v63  }
0x9f: {  	s15 =	sadd.s32 $0x800, s1;
	s29 =	sadd.s32 $0x80, s31  }
0xa0: {  	[hbm4b:s29+s23] =	stream.strided.scatter [tilespmem:s15], [sflag:$0x2], $0x400, s0, s23, $0x38;
	[tilespmem:$0x1C000] =	vst v63  }
0xa1: {  	s15 =	sadd.s32 $0xC00, s1;
	s29 =	sadd.s32 $0xC0, s31  }
0xa2: {  	[hbm4b:s29+s23] =	stream.strided.scatter [tilespmem:s15], [sflag:$0x2], $0x400, s0, s23, $0x38;
	[tilespmem:$0x1C000] =	vst v63  }
0xa3: {  	s15 =	sadd.s32 $0x1000, s1;
	s29 =	sadd.s32 $0x100, s31  }
0xa4: {  	[hbm4b:s29+s23] =	stream.strided.scatter [tilespmem:s15], [sflag:$0x2], $0x400, s0, s23, $0x38;
	[tilespmem:$0x1C000] =	vst v63  }
.Ltmp5:
0xa5: {  	s15 =	sadd.s32 $0x1400, s1;
	s29 =	sadd.s32 $0x140, s31;
	(pc) =	sbr.rel @p1 .LBB2_11-.Ltmp5, $4  }
0xa6: {  	[hbm4b:s29+s23] =	stream.strided.scatter [tilespmem:s15], [sflag:$0x2], $0x400, s0, s23, $0x38;
	[tilespmem:$0x1C000] =	vst v63  }
0xa7: {  	s15 =	sadd.s32 $0x1800, s1;
	s29 =	sadd.s32 $0x180, s31  }
0xa8: {  	[hbm4b:s29+s23] =	stream.strided.scatter [tilespmem:s15], [sflag:$0x2], $0x400, s0, s23, $0x38;
	[tilespmem:$0x1C000] =	vst v63  }
0xa9: {  	s15 =	sadd.s32 $0x1C00, s1;
	s1 =	sadd.s32 $0x1C0, s31;
	s31 =	sadd.s32 $0x1000, s31  }
0xaa: {  	[hbm4b:s1+s23] =	stream.strided.scatter [tilespmem:s15], [sflag:$0x2], $0x400, s0, s23, $0x38;
	[tilespmem:$0x1C000] =	vst v63  }
0xab: {  	_ =	swait.ge [sflag:s30], $0xE000  }
0xac: {  	[sflag:s30] =	ssyncset.done $0x0  }
0xad: {  	[sflag:s30] =	ssyncadd.s32 $0xFFFF2000  }
0xae: {  	_ =	swait.ge [sflag:s2], $0xE000  }
0xaf: {  	[sflag:s2] =	ssyncset.done $0x0  }
0xb0: {  	[sflag:s2] =	ssyncadd.s32 $0xFFFF2000  }
0xb1: {  	_ =	swait.ge [sflag:s2], $0xE000  }
0xb2: {  	[sflag:s2] =	ssyncset.done $0x0  }
0xb3: {  	[sflag:s2] =	ssyncadd.s32 $0xFFFF2000  }
0xb4: {  	_ =	swait.ge [sflag:s2], $0xE000  }
0xb5: {  	[sflag:s2] =	ssyncset.done $0x0  }
0xb6: {  	[sflag:s2] =	ssyncadd.s32 $0xFFFF2000  }
0xb7: {  	_ =	swait.ge [sflag:s2], $0xE000  }
0xb8: {  	[sflag:s2] =	ssyncset.done $0x0  }
0xb9: {  	s13 =	simm.s32 $0x0;
	s8 =	rddreg [dreg:$0x5];
	[sflag:s2] =	ssyncadd.s32 $0xFFFF2000  }
0xba: {  	[tilespmem:s13], [sflag:$0x1] =	stream.linear.gather [hbm4b:s8+s13], $0xE000, $0x38;
	[tilespmem:$0x1C000] =	vst v63  }
0xbb: {  	s15 =	simm.s32 $0xE000  }
0xbc: {  	[hbm4b:s9+s23] =	stream.strided.scatter [tilespmem:s15], [sflag:$0x3], $0x400, s0, s23, $0x38;
	[tilespmem:$0x1C000] =	vst v63  }
0xbd: {  	s8 =	simm.s32 $0xE400;
	s13 =	sadd.s32 $0x40, s9  }
0xbe: {  	[hbm4b:s13+s23] =	stream.strided.scatter [tilespmem:s8], [sflag:$0x3], $0x400, s0, s23, $0x38;
	[tilespmem:$0x1C000] =	vst v63  }
0xbf: {  	s15 =	simm.s32 $0xE800;
	s8 =	sadd.s32 $0x80, s9  }
0xc0: {  	[hbm4b:s8+s23] =	stream.strided.scatter [tilespmem:s15], [sflag:$0x3], $0x400, s0, s23, $0x38;
	[tilespmem:$0x1C000] =	vst v63  }
0xc1: {  	s15 =	simm.s32 $0xEC00;
	s8 =	sadd.s32 $0xC0, s9  }
0xc2: {  	[hbm4b:s8+s23] =	stream.strided.scatter [tilespmem:s15], [sflag:$0x3], $0x400, s0, s23, $0x38;
	[tilespmem:$0x1C000] =	vst v63  }
0xc3: {  	s15 =	simm.s32 $0xF000;
	s8 =	sadd.s32 $0x100, s9  }
0xc4: {  	[hbm4b:s8+s23] =	stream.strided.scatter [tilespmem:s15], [sflag:$0x3], $0x400, s0, s23, $0x38;
	[tilespmem:$0x1C000] =	vst v63  }
0xc5: {  	s31 =	simm.s32 $0x2000;
	s15 =	simm.s32 $0xF400;
	s8 =	sadd.s32 $0x140, s9  }
0xc6: {  	[hbm4b:s8+s23] =	stream.strided.scatter [tilespmem:s15], [sflag:$0x3], $0x400, s0, s23, $0x38;
	[tilespmem:$0x1C000] =	vst v63  }
0xc7: {  	s29 =	simm.s32 $0xFC00;
	s13 =	simm.s32 $0xF800;
	s15 =	sadd.s32 $0x180, s9  }
0xc8: {  	[hbm4b:s15+s23] =	stream.strided.scatter [tilespmem:s13], [sflag:$0x3], $0x400, s0, s23, $0x38;
	[tilespmem:$0x1C000] =	vst v63  }
0xc9: {  	s1 =	sadd.s32 $0x1C0, s9;
	s15 =	simm.s32 $0x10000;
	s13 =	sadd.s32 $0x1000, s9  }
.LBB2_13:
0xca: {  	[hbm4b:s1+s23] =	stream.strided.scatter [tilespmem:s29], [sflag:$0x3], $0x400, s0, s23, $0x38;
	[tilespmem:$0x1C000] =	vst v63  }
0xcb: {  	s1 =	smov.u32 s31;
	s29 =	smov.u32 s15  }
0xcc: {  	s8 =	sadd.s32 $0x8000, s15;
	s31 =	sshra.s32 s29, $0x2;
	s29 =	sadd.s32 $0xE000, s1  }
0xcd: {  	[hbm4b:s13+s23] =	stream.strided.scatter [tilespmem:s29], [sflag:$0x3], $0x400, s0, s23, $0x38;
	[tilespmem:$0x1C000] =	vst v63  }
0xce: {  	p1 =	sne.s32 s15, $0x30000;
	s15 =	sadd.s32 $0xE400, s1;
	s29 =	sadd.s32 $0x40, s13  }
0xcf: {  	[hbm4b:s29+s23] =	stream.strided.scatter [tilespmem:s15], [sflag:$0x3], $0x400, s0, s23, $0x38;
	[tilespmem:$0x1C000] =	vst v63  }
0xd0: {  	s15 =	sadd.s32 $0xE800, s1;
	s29 =	sadd.s32 $0x80, s13  }
0xd1: {  	[hbm4b:s29+s23] =	stream.strided.scatter [tilespmem:s15], [sflag:$0x3], $0x400, s0, s23, $0x38;
	[tilespmem:$0x1C000] =	vst v63  }
0xd2: {  	s15 =	sadd.s32 $0xEC00, s1;
	s29 =	sadd.s32 $0xC0, s13  }
0xd3: {  	[hbm4b:s29+s23] =	stream.strided.scatter [tilespmem:s15], [sflag:$0x3], $0x400, s0, s23, $0x38;
	[tilespmem:$0x1C000] =	vst v63  }
0xd4: {  	s15 =	sadd.s32 $0xF000, s1;
	s29 =	sadd.s32 $0x100, s13  }
0xd5: {  	[hbm4b:s29+s23] =	stream.strided.scatter [tilespmem:s15], [sflag:$0x3], $0x400, s0, s23, $0x38;
	[tilespmem:$0x1C000] =	vst v63  }
0xd6: {  	s15 =	sadd.s32 $0xF400, s1;
	s29 =	sadd.s32 $0x140, s13  }
0xd7: {  	[hbm4b:s29+s23] =	stream.strided.scatter [tilespmem:s15], [sflag:$0x3], $0x400, s0, s23, $0x38;
	[tilespmem:$0x1C000] =	vst v63  }
.Ltmp6:
0xd8: {  	_ = 	snop;
	(pc) =	sbr.rel @p1 .LBB2_13-.Ltmp6, $4  }
0xd9: {  	s15 =	sadd.s32 $0xF800, s1;
	s29 =	sadd.s32 $0x180, s13  }
0xda: {  	[hbm4b:s29+s23] =	stream.strided.scatter [tilespmem:s15], [sflag:$0x3], $0x400, s0, s23, $0x38;
	[tilespmem:$0x1C000] =	vst v63  }
0xdb: {  	s29 =	sadd.s32 $0xFC00, s1  }
0xdc: {  	s1 =	sadd.s32 $0x1C0, s13;
	s13 =	sadd.s32 $0x1000, s13;
	s15 =	smov.u32 s8  }
0xdd: {  	[hbm4b:s1+s23] =	stream.strided.scatter [tilespmem:s29], [sflag:$0x3], $0x400, s0, s23, $0x38;
	[tilespmem:$0x1C000] =	vst v63  }
0xde: {  	s8 =	sadd.s32 $0xE000, s31  }
0xdf: {  	[hbm4b:s13+s23] =	stream.strided.scatter [tilespmem:s8], [sflag:$0x3], $0x400, s0, s23, $0x38;
	[tilespmem:$0x1C000] =	vst v63  }
0xe0: {  	s15 =	sadd.s32 $0xE400, s31;
	s8 =	sadd.s32 $0x40, s13  }
0xe1: {  	[hbm4b:s8+s23] =	stream.strided.scatter [tilespmem:s15], [sflag:$0x3], $0x400, s0, s23, $0x38;
	[tilespmem:$0x1C000] =	vst v63  }
0xe2: {  	s8 =	sadd.s32 $0xE800, s31;
	s15 =	sadd.s32 $0x80, s13  }
0xe3: {  	[hbm4b:s15+s23] =	stream.strided.scatter [tilespmem:s8], [sflag:$0x3], $0x400, s0, s23, $0x38;
	[tilespmem:$0x1C000] =	vst v63  }
0xe4: {  	s8 =	sadd.s32 $0xEC00, s31;
	s15 =	sadd.s32 $0xC0, s13  }
0xe5: {  	[hbm4b:s15+s23] =	stream.strided.scatter [tilespmem:s8], [sflag:$0x3], $0x400, s0, s23, $0x38;
	[tilespmem:$0x1C000] =	vst v63  }
0xe6: {  	s8 =	sadd.s32 $0xF000, s31;
	s15 =	sadd.s32 $0x100, s13  }
0xe7: {  	[hbm4b:s15+s23] =	stream.strided.scatter [tilespmem:s8], [sflag:$0x3], $0x400, s0, s23, $0x38;
	[tilespmem:$0x1C000] =	vst v63  }
0xe8: {  	s8 =	sadd.s32 $0xF400, s31;
	s15 =	sadd.s32 $0x140, s13  }
0xe9: {  	[hbm4b:s15+s23] =	stream.strided.scatter [tilespmem:s8], [sflag:$0x3], $0x400, s0, s23, $0x38;
	[tilespmem:$0x1C000] =	vst v63  }
0xea: {  	s8 =	sadd.s32 $0xF800, s31;
	s15 =	sadd.s32 $0x180, s13  }
0xeb: {  	[hbm4b:s15+s23] =	stream.strided.scatter [tilespmem:s8], [sflag:$0x3], $0x400, s0, s23, $0x38;
	[tilespmem:$0x1C000] =	vst v63  }
0xec: {  	s8 =	sadd.s32 $0xFC00, s31;
	s15 =	sadd.s32 $0x1C0, s13  }
0xed: {  	[hbm4b:s15+s23] =	stream.strided.scatter [tilespmem:s8], [sflag:$0x3], $0x400, s0, s23, $0x38;
	[tilespmem:$0x1C000] =	vst v63  }
0xee: {  	s8 =	simm.s32 $0xE000  }
0xef: {  	[hbm4b:s10+s23] =	stream.strided.scatter [tilespmem:s8], [sflag:$0x3], $0x400, s0, s23, $0x38;
	[tilespmem:$0x1C000] =	vst v63  }
0xf0: {  	s13 =	simm.s32 $0xE400;
	s15 =	sadd.s32 $0x40, s10  }
0xf1: {  	[hbm4b:s15+s23] =	stream.strided.scatter [tilespmem:s13], [sflag:$0x3], $0x400, s0, s23, $0x38;
	[tilespmem:$0x1C000] =	vst v63  }
0xf2: {  	s13 =	simm.s32 $0xE800;
	s15 =	sadd.s32 $0x80, s10  }
0xf3: {  	[hbm4b:s15+s23] =	stream.strided.scatter [tilespmem:s13], [sflag:$0x3], $0x400, s0, s23, $0x38;
	[tilespmem:$0x1C000] =	vst v63  }
0xf4: {  	s13 =	simm.s32 $0xEC00;
	s15 =	sadd.s32 $0xC0, s10  }
0xf5: {  	[hbm4b:s15+s23] =	stream.strided.scatter [tilespmem:s13], [sflag:$0x3], $0x400, s0, s23, $0x38;
	[tilespmem:$0x1C000] =	vst v63  }
0xf6: {  	s13 =	simm.s32 $0xF000;
	s15 =	sadd.s32 $0x100, s10  }
0xf7: {  	[hbm4b:s15+s23] =	stream.strided.scatter [tilespmem:s13], [sflag:$0x3], $0x400, s0, s23, $0x38;
	[tilespmem:$0x1C000] =	vst v63  }
0xf8: {  	s29 =	simm.s32 $0xFC00;
	s13 =	simm.s32 $0xF400;
	s15 =	sadd.s32 $0x140, s10  }
0xf9: {  	[hbm4b:s15+s23] =	stream.strided.scatter [tilespmem:s13], [sflag:$0x3], $0x400, s0, s23, $0x38;
	[tilespmem:$0x1C000] =	vst v63  }
0xfa: {  	s1 =	sadd.s32 $0x1C0, s10;
	s13 =	simm.s32 $0xF800;
	s15 =	sadd.s32 $0x180, s10  }
0xfb: {  	[hbm4b:s15+s23] =	stream.strided.scatter [tilespmem:s13], [sflag:$0x3], $0x400, s0, s23, $0x38;
	[tilespmem:$0x1C000] =	vst v63  }
0xfc: {  	s31 =	sadd.s32 $0x1000, s10;
	s13 =	simm.s32 $0x2000;
	s15 =	simm.s32 $0x10000  }
.LBB2_15:
0xfd: {  	[hbm4b:s1+s23] =	stream.strided.scatter [tilespmem:s29], [sflag:$0x3], $0x400, s0, s23, $0x38;
	[tilespmem:$0x1C000] =	vst v63  }
0xfe: {  	s1 =	smov.u32 s13;
	s8 =	smov.u32 s15  }
0xff: {  	s13 =	sshra.s32 s8, $0x2;
	s8 =	sadd.s32 $0x8000, s15;
	s29 =	sadd.s32 $0xE000, s1  }
0x100: {  	[hbm4b:s31+s23] =	stream.strided.scatter [tilespmem:s29], [sflag:$0x3], $0x400, s0, s23, $0x38;
	[tilespmem:$0x1C000] =	vst v63  }
0x101: {  	p1 =	sne.s32 s15, $0x30000;
	s15 =	sadd.s32 $0xE400, s1;
	s29 =	sadd.s32 $0x40, s31  }
0x102: {  	[hbm4b:s29+s23] =	stream.strided.scatter [tilespmem:s15], [sflag:$0x3], $0x400, s0, s23, $0x38;
	[tilespmem:$0x1C000] =	vst v63  }
0x103: {  	s15 =	sadd.s32 $0xE800, s1;
	s29 =	sadd.s32 $0x80, s31  }
0x104: {  	[hbm4b:s29+s23] =	stream.strided.scatter [tilespmem:s15], [sflag:$0x3], $0x400, s0, s23, $0x38;
	[tilespmem:$0x1C000] =	vst v63  }
0x105: {  	s15 =	sadd.s32 $0xEC00, s1;
	s29 =	sadd.s32 $0xC0, s31  }
0x106: {  	[hbm4b:s29+s23] =	stream.strided.scatter [tilespmem:s15], [sflag:$0x3], $0x400, s0, s23, $0x38;
	[tilespmem:$0x1C000] =	vst v63  }
0x107: {  	s15 =	sadd.s32 $0xF000, s1;
	s29 =	sadd.s32 $0x100, s31  }
0x108: {  	[hbm4b:s29+s23] =	stream.strided.scatter [tilespmem:s15], [sflag:$0x3], $0x400, s0, s23, $0x38;
	[tilespmem:$0x1C000] =	vst v63  }
0x109: {  	s15 =	sadd.s32 $0xF400, s1;
	s29 =	sadd.s32 $0x140, s31  }
0x10a: {  	[hbm4b:s29+s23] =	stream.strided.scatter [tilespmem:s15], [sflag:$0x3], $0x400, s0, s23, $0x38;
	[tilespmem:$0x1C000] =	vst v63  }
.Ltmp7:
0x10b: {  	_ = 	snop;
	(pc) =	sbr.rel @p1 .LBB2_15-.Ltmp7, $4  }
0x10c: {  	s15 =	sadd.s32 $0xF800, s1;
	s29 =	sadd.s32 $0x180, s31  }
0x10d: {  	[hbm4b:s29+s23] =	stream.strided.scatter [tilespmem:s15], [sflag:$0x3], $0x400, s0, s23, $0x38;
	[tilespmem:$0x1C000] =	vst v63  }
0x10e: {  	s29 =	sadd.s32 $0xFC00, s1  }
0x10f: {  	s1 =	sadd.s32 $0x1C0, s31;
	s31 =	sadd.s32 $0x1000, s31;
	s15 =	smov.u32 s8  }
0x110: {  	[hbm4b:s1+s23] =	stream.strided.scatter [tilespmem:s29], [sflag:$0x3], $0x400, s0, s23, $0x38;
	[tilespmem:$0x1C000] =	vst v63  }
0x111: {  	s8 =	sadd.s32 $0xE000, s13  }
0x112: {  	[hbm4b:s31+s23] =	stream.strided.scatter [tilespmem:s8], [sflag:$0x3], $0x400, s0, s23, $0x38;
	[tilespmem:$0x1C000] =	vst v63  }
0x113: {  	s15 =	sadd.s32 $0xE400, s13;
	s8 =	sadd.s32 $0x40, s31  }
0x114: {  	[hbm4b:s8+s23] =	stream.strided.scatter [tilespmem:s15], [sflag:$0x3], $0x400, s0, s23, $0x38;
	[tilespmem:$0x1C000] =	vst v63  }
0x115: {  	s8 =	sadd.s32 $0xE800, s13;
	s15 =	sadd.s32 $0x80, s31  }
0x116: {  	[hbm4b:s15+s23] =	stream.strided.scatter [tilespmem:s8], [sflag:$0x3], $0x400, s0, s23, $0x38;
	[tilespmem:$0x1C000] =	vst v63  }
0x117: {  	s8 =	sadd.s32 $0xEC00, s13;
	s15 =	sadd.s32 $0xC0, s31  }
0x118: {  	[hbm4b:s15+s23] =	stream.strided.scatter [tilespmem:s8], [sflag:$0x3], $0x400, s0, s23, $0x38;
	[tilespmem:$0x1C000] =	vst v63  }
0x119: {  	s8 =	sadd.s32 $0xF000, s13;
	s15 =	sadd.s32 $0x100, s31  }
0x11a: {  	[hbm4b:s15+s23] =	stream.strided.scatter [tilespmem:s8], [sflag:$0x3], $0x400, s0, s23, $0x38;
	[tilespmem:$0x1C000] =	vst v63  }
0x11b: {  	s8 =	sadd.s32 $0xF400, s13;
	s15 =	sadd.s32 $0x140, s31  }
0x11c: {  	[hbm4b:s15+s23] =	stream.strided.scatter [tilespmem:s8], [sflag:$0x3], $0x400, s0, s23, $0x38;
	[tilespmem:$0x1C000] =	vst v63  }
0x11d: {  	s8 =	sadd.s32 $0xF800, s13;
	s15 =	sadd.s32 $0x180, s31  }
0x11e: {  	[hbm4b:s15+s23] =	stream.strided.scatter [tilespmem:s8], [sflag:$0x3], $0x400, s0, s23, $0x38;
	[tilespmem:$0x1C000] =	vst v63  }
0x11f: {  	s13 =	sadd.s32 $0xFC00, s13;
	s15 =	sadd.s32 $0x1C0, s31  }
0x120: {  	[hbm4b:s15+s23] =	stream.strided.scatter [tilespmem:s13], [sflag:$0x3], $0x400, s0, s23, $0x38;
	[tilespmem:$0x1C000] =	vst v63  }
0x121: {  	s8 =	simm.s32 $0xE000  }
0x122: {  	[hbm4b:s11+s23] =	stream.strided.scatter [tilespmem:s8], [sflag:$0x3], $0x400, s0, s23, $0x38;
	[tilespmem:$0x1C000] =	vst v63  }
0x123: {  	s13 =	simm.s32 $0xE400;
	s15 =	sadd.s32 $0x40, s11  }
0x124: {  	[hbm4b:s15+s23] =	stream.strided.scatter [tilespmem:s13], [sflag:$0x3], $0x400, s0, s23, $0x38;
	[tilespmem:$0x1C000] =	vst v63  }
0x125: {  	s13 =	simm.s32 $0xE800;
	s15 =	sadd.s32 $0x80, s11  }
0x126: {  	[hbm4b:s15+s23] =	stream.strided.scatter [tilespmem:s13], [sflag:$0x3], $0x400, s0, s23, $0x38;
	[tilespmem:$0x1C000] =	vst v63  }
0x127: {  	s13 =	simm.s32 $0xEC00;
	s15 =	sadd.s32 $0xC0, s11  }
0x128: {  	[hbm4b:s15+s23] =	stream.strided.scatter [tilespmem:s13], [sflag:$0x3], $0x400, s0, s23, $0x38;
	[tilespmem:$0x1C000] =	vst v63  }
0x129: {  	s13 =	simm.s32 $0xF000;
	s15 =	sadd.s32 $0x100, s11  }
0x12a: {  	[hbm4b:s15+s23] =	stream.strided.scatter [tilespmem:s13], [sflag:$0x3], $0x400, s0, s23, $0x38;
	[tilespmem:$0x1C000] =	vst v63  }
0x12b: {  	s29 =	simm.s32 $0xFC00;
	s13 =	simm.s32 $0xF400;
	s15 =	sadd.s32 $0x140, s11  }
0x12c: {  	[hbm4b:s15+s23] =	stream.strided.scatter [tilespmem:s13], [sflag:$0x3], $0x400, s0, s23, $0x38;
	[tilespmem:$0x1C000] =	vst v63  }
0x12d: {  	s1 =	sadd.s32 $0x1C0, s11;
	s13 =	simm.s32 $0xF800;
	s15 =	sadd.s32 $0x180, s11  }
0x12e: {  	[hbm4b:s15+s23] =	stream.strided.scatter [tilespmem:s13], [sflag:$0x3], $0x400, s0, s23, $0x38;
	[tilespmem:$0x1C000] =	vst v63  }
0x12f: {  	s31 =	sadd.s32 $0x1000, s11;
	s13 =	simm.s32 $0x2000;
	s15 =	simm.s32 $0x10000  }
.LBB2_17:
0x130: {  	[hbm4b:s1+s23] =	stream.strided.scatter [tilespmem:s29], [sflag:$0x3], $0x400, s0, s23, $0x38;
	[tilespmem:$0x1C000] =	vst v63  }
0x131: {  	s1 =	smov.u32 s13;
	s8 =	smov.u32 s15  }
0x132: {  	s13 =	sshra.s32 s8, $0x2;
	s8 =	sadd.s32 $0x8000, s15;
	s29 =	sadd.s32 $0xE000, s1  }
0x133: {  	[hbm4b:s31+s23] =	stream.strided.scatter [tilespmem:s29], [sflag:$0x3], $0x400, s0, s23, $0x38;
	[tilespmem:$0x1C000] =	vst v63  }
0x134: {  	p1 =	sne.s32 s15, $0x30000;
	s15 =	sadd.s32 $0xE400, s1;
	s29 =	sadd.s32 $0x40, s31  }
0x135: {  	[hbm4b:s29+s23] =	stream.strided.scatter [tilespmem:s15], [sflag:$0x3], $0x400, s0, s23, $0x38;
	[tilespmem:$0x1C000] =	vst v63  }
0x136: {  	s15 =	sadd.s32 $0xE800, s1;
	s29 =	sadd.s32 $0x80, s31  }
0x137: {  	[hbm4b:s29+s23] =	stream.strided.scatter [tilespmem:s15], [sflag:$0x3], $0x400, s0, s23, $0x38;
	[tilespmem:$0x1C000] =	vst v63  }
0x138: {  	s15 =	sadd.s32 $0xEC00, s1;
	s29 =	sadd.s32 $0xC0, s31  }
0x139: {  	[hbm4b:s29+s23] =	stream.strided.scatter [tilespmem:s15], [sflag:$0x3], $0x400, s0, s23, $0x38;
	[tilespmem:$0x1C000] =	vst v63  }
0x13a: {  	s15 =	sadd.s32 $0xF000, s1;
	s29 =	sadd.s32 $0x100, s31  }
0x13b: {  	[hbm4b:s29+s23] =	stream.strided.scatter [tilespmem:s15], [sflag:$0x3], $0x400, s0, s23, $0x38;
	[tilespmem:$0x1C000] =	vst v63  }
0x13c: {  	s15 =	sadd.s32 $0xF400, s1;
	s29 =	sadd.s32 $0x140, s31  }
0x13d: {  	[hbm4b:s29+s23] =	stream.strided.scatter [tilespmem:s15], [sflag:$0x3], $0x400, s0, s23, $0x38;
	[tilespmem:$0x1C000] =	vst v63  }
.Ltmp8:
0x13e: {  	_ = 	snop;
	(pc) =	sbr.rel @p1 .LBB2_17-.Ltmp8, $4  }
0x13f: {  	s15 =	sadd.s32 $0xF800, s1;
	s29 =	sadd.s32 $0x180, s31  }
0x140: {  	[hbm4b:s29+s23] =	stream.strided.scatter [tilespmem:s15], [sflag:$0x3], $0x400, s0, s23, $0x38;
	[tilespmem:$0x1C000] =	vst v63  }
0x141: {  	s29 =	sadd.s32 $0xFC00, s1  }
0x142: {  	s1 =	sadd.s32 $0x1C0, s31;
	s31 =	sadd.s32 $0x1000, s31;
	s15 =	smov.u32 s8  }
0x143: {  	[hbm4b:s1+s23] =	stream.strided.scatter [tilespmem:s29], [sflag:$0x3], $0x400, s0, s23, $0x38;
	[tilespmem:$0x1C000] =	vst v63  }
0x144: {  	s8 =	sadd.s32 $0xE000, s13  }
0x145: {  	[hbm4b:s31+s23] =	stream.strided.scatter [tilespmem:s8], [sflag:$0x3], $0x400, s0, s23, $0x38;
	[tilespmem:$0x1C000] =	vst v63  }
0x146: {  	s15 =	sadd.s32 $0xE400, s13;
	s8 =	sadd.s32 $0x40, s31  }
0x147: {  	[hbm4b:s8+s23] =	stream.strided.scatter [tilespmem:s15], [sflag:$0x3], $0x400, s0, s23, $0x38;
	[tilespmem:$0x1C000] =	vst v63  }
0x148: {  	s8 =	sadd.s32 $0xE800, s13;
	s15 =	sadd.s32 $0x80, s31  }
0x149: {  	[hbm4b:s15+s23] =	stream.strided.scatter [tilespmem:s8], [sflag:$0x3], $0x400, s0, s23, $0x38;
	[tilespmem:$0x1C000] =	vst v63  }
0x14a: {  	s8 =	sadd.s32 $0xEC00, s13;
	s15 =	sadd.s32 $0xC0, s31  }
0x14b: {  	[hbm4b:s15+s23] =	stream.strided.scatter [tilespmem:s8], [sflag:$0x3], $0x400, s0, s23, $0x38;
	[tilespmem:$0x1C000] =	vst v63  }
0x14c: {  	s8 =	sadd.s32 $0xF000, s13;
	s15 =	sadd.s32 $0x100, s31  }
0x14d: {  	[hbm4b:s15+s23] =	stream.strided.scatter [tilespmem:s8], [sflag:$0x3], $0x400, s0, s23, $0x38;
	[tilespmem:$0x1C000] =	vst v63  }
0x14e: {  	s8 =	sadd.s32 $0xF400, s13;
	s15 =	sadd.s32 $0x140, s31  }
0x14f: {  	[hbm4b:s15+s23] =	stream.strided.scatter [tilespmem:s8], [sflag:$0x3], $0x400, s0, s23, $0x38;
	[tilespmem:$0x1C000] =	vst v63  }
0x150: {  	s8 =	sadd.s32 $0xF800, s13;
	s15 =	sadd.s32 $0x180, s31  }
0x151: {  	[hbm4b:s15+s23] =	stream.strided.scatter [tilespmem:s8], [sflag:$0x3], $0x400, s0, s23, $0x38;
	[tilespmem:$0x1C000] =	vst v63  }
0x152: {  	s13 =	sadd.s32 $0xFC00, s13;
	s15 =	sadd.s32 $0x1C0, s31  }
0x153: {  	[hbm4b:s15+s23] =	stream.strided.scatter [tilespmem:s13], [sflag:$0x3], $0x400, s0, s23, $0x38;
	[tilespmem:$0x1C000] =	vst v63  }
0x154: {  	s8 =	simm.s32 $0xE000  }
0x155: {  	[hbm4b:s12+s23] =	stream.strided.scatter [tilespmem:s8], [sflag:$0x3], $0x400, s0, s23, $0x38;
	[tilespmem:$0x1C000] =	vst v63  }
0x156: {  	s13 =	simm.s32 $0xE400;
	s15 =	sadd.s32 $0x40, s12  }
0x157: {  	[hbm4b:s15+s23] =	stream.strided.scatter [tilespmem:s13], [sflag:$0x3], $0x400, s0, s23, $0x38;
	[tilespmem:$0x1C000] =	vst v63  }
0x158: {  	s13 =	simm.s32 $0xE800;
	s15 =	sadd.s32 $0x80, s12  }
0x159: {  	[hbm4b:s15+s23] =	stream.strided.scatter [tilespmem:s13], [sflag:$0x3], $0x400, s0, s23, $0x38;
	[tilespmem:$0x1C000] =	vst v63  }
0x15a: {  	s13 =	simm.s32 $0xEC00;
	s15 =	sadd.s32 $0xC0, s12  }
0x15b: {  	[hbm4b:s15+s23] =	stream.strided.scatter [tilespmem:s13], [sflag:$0x3], $0x400, s0, s23, $0x38;
	[tilespmem:$0x1C000] =	vst v63  }
0x15c: {  	s13 =	simm.s32 $0xF000;
	s15 =	sadd.s32 $0x100, s12  }
0x15d: {  	[hbm4b:s15+s23] =	stream.strided.scatter [tilespmem:s13], [sflag:$0x3], $0x400, s0, s23, $0x38;
	[tilespmem:$0x1C000] =	vst v63  }
0x15e: {  	s29 =	simm.s32 $0xFC00;
	s13 =	simm.s32 $0xF400;
	s15 =	sadd.s32 $0x140, s12  }
0x15f: {  	[hbm4b:s15+s23] =	stream.strided.scatter [tilespmem:s13], [sflag:$0x3], $0x400, s0, s23, $0x38;
	[tilespmem:$0x1C000] =	vst v63  }
0x160: {  	s1 =	sadd.s32 $0x1C0, s12;
	s13 =	simm.s32 $0xF800;
	s15 =	sadd.s32 $0x180, s12  }
0x161: {  	[hbm4b:s15+s23] =	stream.strided.scatter [tilespmem:s13], [sflag:$0x3], $0x400, s0, s23, $0x38;
	[tilespmem:$0x1C000] =	vst v63  }
0x162: {  	s31 =	sadd.s32 $0x1000, s12;
	s13 =	simm.s32 $0x2000;
	s15 =	simm.s32 $0x10000  }
.LBB2_19:
0x163: {  	[hbm4b:s1+s23] =	stream.strided.scatter [tilespmem:s29], [sflag:$0x3], $0x400, s0, s23, $0x38;
	[tilespmem:$0x1C000] =	vst v63  }
0x164: {  	s1 =	smov.u32 s13;
	s8 =	smov.u32 s15  }
0x165: {  	s13 =	sshra.s32 s8, $0x2;
	s8 =	sadd.s32 $0x8000, s15;
	s29 =	sadd.s32 $0xE000, s1  }
0x166: {  	[hbm4b:s31+s23] =	stream.strided.scatter [tilespmem:s29], [sflag:$0x3], $0x400, s0, s23, $0x38;
	[tilespmem:$0x1C000] =	vst v63  }
0x167: {  	p1 =	sne.s32 s15, $0x30000;
	s15 =	sadd.s32 $0xE400, s1;
	s29 =	sadd.s32 $0x40, s31  }
0x168: {  	[hbm4b:s29+s23] =	stream.strided.scatter [tilespmem:s15], [sflag:$0x3], $0x400, s0, s23, $0x38;
	[tilespmem:$0x1C000] =	vst v63  }
0x169: {  	s15 =	sadd.s32 $0xE800, s1;
	s29 =	sadd.s32 $0x80, s31  }
0x16a: {  	[hbm4b:s29+s23] =	stream.strided.scatter [tilespmem:s15], [sflag:$0x3], $0x400, s0, s23, $0x38;
	[tilespmem:$0x1C000] =	vst v63  }
0x16b: {  	s15 =	sadd.s32 $0xEC00, s1;
	s29 =	sadd.s32 $0xC0, s31  }
0x16c: {  	[hbm4b:s29+s23] =	stream.strided.scatter [tilespmem:s15], [sflag:$0x3], $0x400, s0, s23, $0x38;
	[tilespmem:$0x1C000] =	vst v63  }
0x16d: {  	s15 =	sadd.s32 $0xF000, s1;
	s29 =	sadd.s32 $0x100, s31  }
0x16e: {  	[hbm4b:s29+s23] =	stream.strided.scatter [tilespmem:s15], [sflag:$0x3], $0x400, s0, s23, $0x38;
	[tilespmem:$0x1C000] =	vst v63  }
0x16f: {  	s15 =	sadd.s32 $0xF400, s1;
	s29 =	sadd.s32 $0x140, s31  }
0x170: {  	[hbm4b:s29+s23] =	stream.strided.scatter [tilespmem:s15], [sflag:$0x3], $0x400, s0, s23, $0x38;
	[tilespmem:$0x1C000] =	vst v63  }
.Ltmp9:
0x171: {  	_ = 	snop;
	(pc) =	sbr.rel @p1 .LBB2_19-.Ltmp9, $4  }
0x172: {  	s15 =	sadd.s32 $0xF800, s1;
	s29 =	sadd.s32 $0x180, s31  }
0x173: {  	[hbm4b:s29+s23] =	stream.strided.scatter [tilespmem:s15], [sflag:$0x3], $0x400, s0, s23, $0x38;
	[tilespmem:$0x1C000] =	vst v63  }
0x174: {  	s29 =	sadd.s32 $0xFC00, s1  }
0x175: {  	s1 =	sadd.s32 $0x1C0, s31;
	s31 =	sadd.s32 $0x1000, s31;
	s15 =	smov.u32 s8  }
0x176: {  	[hbm4b:s1+s23] =	stream.strided.scatter [tilespmem:s29], [sflag:$0x3], $0x400, s0, s23, $0x38;
	[tilespmem:$0x1C000] =	vst v63  }
0x177: {  	s15 =	sadd.s32 $0xE000, s13  }
0x178: {  	[hbm4b:s31+s23] =	stream.strided.scatter [tilespmem:s15], [sflag:$0x3], $0x400, s0, s23, $0x38;
	[tilespmem:$0x1C000] =	vst v63  }
0x179: {  	s29 =	sadd.s32 $0xE400, s13;
	s8 =	sadd.s32 $0x40, s31  }
0x17a: {  	[hbm4b:s8+s23] =	stream.strided.scatter [tilespmem:s29], [sflag:$0x3], $0x400, s0, s23, $0x38;
	[tilespmem:$0x1C000] =	vst v63  }
0x17b: {  	s15 =	sadd.s32 $0xE800, s13;
	s29 =	sadd.s32 $0x80, s31  }
0x17c: {  	[hbm4b:s29+s23] =	stream.strided.scatter [tilespmem:s15], [sflag:$0x3], $0x400, s0, s23, $0x38;
	[tilespmem:$0x1C000] =	vst v63  }
0x17d: {  	s15 =	sadd.s32 $0xEC00, s13;
	s29 =	sadd.s32 $0xC0, s31  }
0x17e: {  	[hbm4b:s29+s23] =	stream.strided.scatter [tilespmem:s15], [sflag:$0x3], $0x400, s0, s23, $0x38;
	[tilespmem:$0x1C000] =	vst v63  }
0x17f: {  	s15 =	sadd.s32 $0xF000, s13;
	s29 =	sadd.s32 $0x100, s31  }
0x180: {  	[hbm4b:s29+s23] =	stream.strided.scatter [tilespmem:s15], [sflag:$0x3], $0x400, s0, s23, $0x38;
	[tilespmem:$0x1C000] =	vst v63  }
0x181: {  	s15 =	sadd.s32 $0xF400, s13;
	s29 =	sadd.s32 $0x140, s31  }
0x182: {  	[hbm4b:s29+s23] =	stream.strided.scatter [tilespmem:s15], [sflag:$0x3], $0x400, s0, s23, $0x38;
	[tilespmem:$0x1C000] =	vst v63  }
0x183: {  	s15 =	sadd.s32 $0xF800, s13;
	s29 =	sadd.s32 $0x180, s31  }
0x184: {  	[hbm4b:s29+s23] =	stream.strided.scatter [tilespmem:s15], [sflag:$0x3], $0x400, s0, s23, $0x38;
	[tilespmem:$0x1C000] =	vst v63  }
0x185: {  	s15 =	sadd.s32 $0xFC00, s13;
	s29 =	sadd.s32 $0x1C0, s31  }
0x186: {  	[hbm4b:s29+s23] =	stream.strided.scatter [tilespmem:s15], [sflag:$0x3], $0x400, s0, s23, $0x38;
	[tilespmem:$0x1C000] =	vst v63  }
0x187: {  	_ =	swait.ge [sflag:s30], $0xE000  }
0x188: {  	[sflag:s30] =	ssyncset.done $0x0  }
0x189: {  	[sflag:s30] =	ssyncadd.s32 $0xFFFF2000  }
0x18a: {  	_ =	swait.ge [sflag:s3], $0xE000  }
0x18b: {  	[sflag:s3] =	ssyncset.done $0x0  }
0x18c: {  	[sflag:s3] =	ssyncadd.s32 $0xFFFF2000  }
0x18d: {  	_ =	swait.ge [sflag:s3], $0xE000  }
0x18e: {  	[sflag:s3] =	ssyncset.done $0x0  }
0x18f: {  	[sflag:s3] =	ssyncadd.s32 $0xFFFF2000  }
0x190: {  	_ =	swait.ge [sflag:s3], $0xE000  }
0x191: {  	[sflag:s3] =	ssyncset.done $0x0  }
0x192: {  	[sflag:s3] =	ssyncadd.s32 $0xFFFF2000  }
0x193: {  	_ =	swait.ge [sflag:s3], $0xE000  }
0x194: {  	s8 =	simm.s32 $0x0;
	[sflag:s3] =	ssyncset.done $0x0  }
0x195: {  	s15 =	simm.s32 $0xE000;
	s13 =	rddreg [dreg:$0x6];
	[sflag:s3] =	ssyncadd.s32 $0xFFFF2000  }
0x196: {  	[tilespmem:s15], [sflag:$0x1] =	stream.linear.gather [hbm4b:s13+s8], $0xE000, $0x38;
	[tilespmem:$0x1C000] =	vst v63  }
0x197: {  	s29 =	simm.s32 $0x0  }
0x198: {  	[hbm4b:s14+s23] =	stream.strided.scatter [tilespmem:s29], [sflag:$0x2], $0x400, s0, s23, $0x38;
	[tilespmem:$0x1C000] =	vst v63  }
0x199: {  	s8 =	simm.s32 $0x400;
	s13 =	sadd.s32 $0x40, s14  }
0x19a: {  	[hbm4b:s13+s23] =	stream.strided.scatter [tilespmem:s8], [sflag:$0x2], $0x400, s0, s23, $0x38;
	[tilespmem:$0x1C000] =	vst v63  }
0x19b: {  	s15 =	simm.s32 $0x800;
	s29 =	sadd.s32 $0x80, s14  }
0x19c: {  	[hbm4b:s29+s23] =	stream.strided.scatter [tilespmem:s15], [sflag:$0x2], $0x400, s0, s23, $0x38;
	[tilespmem:$0x1C000] =	vst v63  }
0x19d: {  	s8 =	simm.s32 $0xC00;
	s13 =	sadd.s32 $0xC0, s14  }
0x19e: {  	[hbm4b:s13+s23] =	stream.strided.scatter [tilespmem:s8], [sflag:$0x2], $0x400, s0, s23, $0x38;
	[tilespmem:$0x1C000] =	vst v63  }
0x19f: {  	s15 =	simm.s32 $0x1000;
	s29 =	sadd.s32 $0x100, s14  }
0x1a0: {  	[hbm4b:s29+s23] =	stream.strided.scatter [tilespmem:s15], [sflag:$0x2], $0x400, s0, s23, $0x38;
	[tilespmem:$0x1C000] =	vst v63  }
0x1a1: {  	s8 =	simm.s32 $0x1400;
	s13 =	sadd.s32 $0x140, s14  }
0x1a2: {  	[hbm4b:s13+s23] =	stream.strided.scatter [tilespmem:s8], [sflag:$0x2], $0x400, s0, s23, $0x38;
	[tilespmem:$0x1C000] =	vst v63  }
0x1a3: {  	s1 =	sadd.s32 $0x1C0, s14;
	s15 =	simm.s32 $0x1800;
	s29 =	sadd.s32 $0x180, s14  }
0x1a4: {  	[hbm4b:s29+s23] =	stream.strided.scatter [tilespmem:s15], [sflag:$0x2], $0x400, s0, s23, $0x38;
	[tilespmem:$0x1C000] =	vst v63  }
0x1a5: {  	s31 =	sadd.s32 $0x1000, s14;
	s13 =	simm.s32 $0x8000;
	s15 =	simm.s32 $0x1C00  }
.LBB2_21:
0x1a6: {  	[hbm4b:s1+s23] =	stream.strided.scatter [tilespmem:s15], [sflag:$0x2], $0x400, s0, s23, $0x38;
	[tilespmem:$0x1C000] =	vst v63  }
0x1a7: {  	s1 =	sshra.s32 s13, $0x2;
	p1 =	sne.s32 s13, $0x30000;
	s13 =	sadd.s32 $0x8000, s13  }
0x1a8: {  	[hbm4b:s31+s23] =	stream.strided.scatter [tilespmem:s1], [sflag:$0x2], $0x400, s0, s23, $0x38;
	[tilespmem:$0x1C000] =	vst v63  }
0x1a9: {  	s15 =	sadd.s32 $0x40, s31;
	s8 =	sadd.s32 $0x400, s1  }
0x1aa: {  	[hbm4b:s15+s23] =	stream.strided.scatter [tilespmem:s8], [sflag:$0x2], $0x400, s0, s23, $0x38;
	[tilespmem:$0x1C000] =	vst v63  }
0x1ab: {  	s8 =	sadd.s32 $0x800, s1;
	s15 =	sadd.s32 $0x80, s31  }
0x1ac: {  	[hbm4b:s15+s23] =	stream.strided.scatter [tilespmem:s8], [sflag:$0x2], $0x400, s0, s23, $0x38;
	[tilespmem:$0x1C000] =	vst v63  }
0x1ad: {  	s8 =	sadd.s32 $0xC00, s1;
	s15 =	sadd.s32 $0xC0, s31  }
0x1ae: {  	[hbm4b:s15+s23] =	stream.strided.scatter [tilespmem:s8], [sflag:$0x2], $0x400, s0, s23, $0x38;
	[tilespmem:$0x1C000] =	vst v63  }
0x1af: {  	s8 =	sadd.s32 $0x1000, s1;
	s15 =	sadd.s32 $0x100, s31  }
0x1b0: {  	[hbm4b:s15+s23] =	stream.strided.scatter [tilespmem:s8], [sflag:$0x2], $0x400, s0, s23, $0x38;
	[tilespmem:$0x1C000] =	vst v63  }
.Ltmp10:
0x1b1: {  	s8 =	sadd.s32 $0x1400, s1;
	s15 =	sadd.s32 $0x140, s31;
	(pc) =	sbr.rel @p1 .LBB2_21-.Ltmp10, $4  }
0x1b2: {  	[hbm4b:s15+s23] =	stream.strided.scatter [tilespmem:s8], [sflag:$0x2], $0x400, s0, s23, $0x38;
	[tilespmem:$0x1C000] =	vst v63  }
0x1b3: {  	s8 =	sadd.s32 $0x1800, s1;
	s15 =	sadd.s32 $0x180, s31  }
0x1b4: {  	[hbm4b:s15+s23] =	stream.strided.scatter [tilespmem:s8], [sflag:$0x2], $0x400, s0, s23, $0x38;
	[tilespmem:$0x1C000] =	vst v63  }
0x1b5: {  	s15 =	sadd.s32 $0x1C00, s1;
	s1 =	sadd.s32 $0x1C0, s31;
	s31 =	sadd.s32 $0x1000, s31  }
0x1b6: {  	[hbm4b:s1+s23] =	stream.strided.scatter [tilespmem:s15], [sflag:$0x2], $0x400, s0, s23, $0x38;
	[tilespmem:$0x1C000] =	vst v63  }
0x1b7: {  	s8 =	simm.s32 $0x0  }
0x1b8: {  	[hbm4b:s16+s23] =	stream.strided.scatter [tilespmem:s8], [sflag:$0x2], $0x400, s0, s23, $0x38;
	[tilespmem:$0x1C000] =	vst v63  }
0x1b9: {  	s13 =	simm.s32 $0x400;
	s8 =	sadd.s32 $0x40, s16  }
0x1ba: {  	[hbm4b:s8+s23] =	stream.strided.scatter [tilespmem:s13], [sflag:$0x2], $0x400, s0, s23, $0x38;
	[tilespmem:$0x1C000] =	vst v63  }
0x1bb: {  	s15 =	simm.s32 $0x800;
	s29 =	sadd.s32 $0x80, s16  }
0x1bc: {  	[hbm4b:s29+s23] =	stream.strided.scatter [tilespmem:s15], [sflag:$0x2], $0x400, s0, s23, $0x38;
	[tilespmem:$0x1C000] =	vst v63  }
0x1bd: {  	s8 =	simm.s32 $0xC00;
	s13 =	sadd.s32 $0xC0, s16  }
0x1be: {  	[hbm4b:s13+s23] =	stream.strided.scatter [tilespmem:s8], [sflag:$0x2], $0x400, s0, s23, $0x38;
	[tilespmem:$0x1C000] =	vst v63  }
0x1bf: {  	s15 =	simm.s32 $0x1000;
	s29 =	sadd.s32 $0x100, s16  }
0x1c0: {  	[hbm4b:s29+s23] =	stream.strided.scatter [tilespmem:s15], [sflag:$0x2], $0x400, s0, s23, $0x38;
	[tilespmem:$0x1C000] =	vst v63  }
0x1c1: {  	s8 =	simm.s32 $0x1400;
	s13 =	sadd.s32 $0x140, s16  }
0x1c2: {  	[hbm4b:s13+s23] =	stream.strided.scatter [tilespmem:s8], [sflag:$0x2], $0x400, s0, s23, $0x38;
	[tilespmem:$0x1C000] =	vst v63  }
0x1c3: {  	s1 =	sadd.s32 $0x1C0, s16;
	s15 =	simm.s32 $0x1800;
	s29 =	sadd.s32 $0x180, s16  }
0x1c4: {  	[hbm4b:s29+s23] =	stream.strided.scatter [tilespmem:s15], [sflag:$0x2], $0x400, s0, s23, $0x38;
	[tilespmem:$0x1C000] =	vst v63  }
0x1c5: {  	s31 =	sadd.s32 $0x1000, s16;
	s13 =	simm.s32 $0x8000;
	s15 =	simm.s32 $0x1C00  }
.LBB2_23:
0x1c6: {  	[hbm4b:s1+s23] =	stream.strided.scatter [tilespmem:s15], [sflag:$0x2], $0x400, s0, s23, $0x38;
	[tilespmem:$0x1C000] =	vst v63  }
0x1c7: {  	s1 =	sshra.s32 s13, $0x2;
	p1 =	sne.s32 s13, $0x30000;
	s13 =	sadd.s32 $0x8000, s13  }
0x1c8: {  	[hbm4b:s31+s23] =	stream.strided.scatter [tilespmem:s1], [sflag:$0x2], $0x400, s0, s23, $0x38;
	[tilespmem:$0x1C000] =	vst v63  }
0x1c9: {  	s15 =	sadd.s32 $0x40, s31;
	s8 =	sadd.s32 $0x400, s1  }
0x1ca: {  	[hbm4b:s15+s23] =	stream.strided.scatter [tilespmem:s8], [sflag:$0x2], $0x400, s0, s23, $0x38;
	[tilespmem:$0x1C000] =	vst v63  }
0x1cb: {  	s8 =	sadd.s32 $0x800, s1;
	s15 =	sadd.s32 $0x80, s31  }
0x1cc: {  	[hbm4b:s15+s23] =	stream.strided.scatter [tilespmem:s8], [sflag:$0x2], $0x400, s0, s23, $0x38;
	[tilespmem:$0x1C000] =	vst v63  }
0x1cd: {  	s8 =	sadd.s32 $0xC00, s1;
	s15 =	sadd.s32 $0xC0, s31  }
0x1ce: {  	[hbm4b:s15+s23] =	stream.strided.scatter [tilespmem:s8], [sflag:$0x2], $0x400, s0, s23, $0x38;
	[tilespmem:$0x1C000] =	vst v63  }
0x1cf: {  	s8 =	sadd.s32 $0x1000, s1;
	s15 =	sadd.s32 $0x100, s31  }
0x1d0: {  	[hbm4b:s15+s23] =	stream.strided.scatter [tilespmem:s8], [sflag:$0x2], $0x400, s0, s23, $0x38;
	[tilespmem:$0x1C000] =	vst v63  }
.Ltmp11:
0x1d1: {  	s8 =	sadd.s32 $0x1400, s1;
	s15 =	sadd.s32 $0x140, s31;
	(pc) =	sbr.rel @p1 .LBB2_23-.Ltmp11, $4  }
0x1d2: {  	[hbm4b:s15+s23] =	stream.strided.scatter [tilespmem:s8], [sflag:$0x2], $0x400, s0, s23, $0x38;
	[tilespmem:$0x1C000] =	vst v63  }
0x1d3: {  	s8 =	sadd.s32 $0x1800, s1;
	s15 =	sadd.s32 $0x180, s31  }
0x1d4: {  	[hbm4b:s15+s23] =	stream.strided.scatter [tilespmem:s8], [sflag:$0x2], $0x400, s0, s23, $0x38;
	[tilespmem:$0x1C000] =	vst v63  }
0x1d5: {  	s15 =	sadd.s32 $0x1C00, s1;
	s1 =	sadd.s32 $0x1C0, s31;
	s31 =	sadd.s32 $0x1000, s31  }
0x1d6: {  	[hbm4b:s1+s23] =	stream.strided.scatter [tilespmem:s15], [sflag:$0x2], $0x400, s0, s23, $0x38;
	[tilespmem:$0x1C000] =	vst v63  }
0x1d7: {  	s8 =	simm.s32 $0x0  }
0x1d8: {  	[hbm4b:s17+s23] =	stream.strided.scatter [tilespmem:s8], [sflag:$0x2], $0x400, s0, s23, $0x38;
	[tilespmem:$0x1C000] =	vst v63  }
0x1d9: {  	s13 =	simm.s32 $0x400;
	s8 =	sadd.s32 $0x40, s17  }
0x1da: {  	[hbm4b:s8+s23] =	stream.strided.scatter [tilespmem:s13], [sflag:$0x2], $0x400, s0, s23, $0x38;
	[tilespmem:$0x1C000] =	vst v63  }
0x1db: {  	s15 =	simm.s32 $0x800;
	s29 =	sadd.s32 $0x80, s17  }
0x1dc: {  	[hbm4b:s29+s23] =	stream.strided.scatter [tilespmem:s15], [sflag:$0x2], $0x400, s0, s23, $0x38;
	[tilespmem:$0x1C000] =	vst v63  }
0x1dd: {  	s8 =	simm.s32 $0xC00;
	s13 =	sadd.s32 $0xC0, s17  }
0x1de: {  	[hbm4b:s13+s23] =	stream.strided.scatter [tilespmem:s8], [sflag:$0x2], $0x400, s0, s23, $0x38;
	[tilespmem:$0x1C000] =	vst v63  }
0x1df: {  	s15 =	simm.s32 $0x1000;
	s29 =	sadd.s32 $0x100, s17  }
0x1e0: {  	[hbm4b:s29+s23] =	stream.strided.scatter [tilespmem:s15], [sflag:$0x2], $0x400, s0, s23, $0x38;
	[tilespmem:$0x1C000] =	vst v63  }
0x1e1: {  	s8 =	simm.s32 $0x1400;
	s13 =	sadd.s32 $0x140, s17  }
0x1e2: {  	[hbm4b:s13+s23] =	stream.strided.scatter [tilespmem:s8], [sflag:$0x2], $0x400, s0, s23, $0x38;
	[tilespmem:$0x1C000] =	vst v63  }
0x1e3: {  	s1 =	sadd.s32 $0x1C0, s17;
	s15 =	simm.s32 $0x1800;
	s29 =	sadd.s32 $0x180, s17  }
0x1e4: {  	[hbm4b:s29+s23] =	stream.strided.scatter [tilespmem:s15], [sflag:$0x2], $0x400, s0, s23, $0x38;
	[tilespmem:$0x1C000] =	vst v63  }
0x1e5: {  	s31 =	sadd.s32 $0x1000, s17;
	s13 =	simm.s32 $0x8000;
	s15 =	simm.s32 $0x1C00  }
.LBB2_25:
0x1e6: {  	[hbm4b:s1+s23] =	stream.strided.scatter [tilespmem:s15], [sflag:$0x2], $0x400, s0, s23, $0x38;
	[tilespmem:$0x1C000] =	vst v63  }
0x1e7: {  	s1 =	sshra.s32 s13, $0x2;
	p1 =	sne.s32 s13, $0x30000;
	s13 =	sadd.s32 $0x8000, s13  }
0x1e8: {  	[hbm4b:s31+s23] =	stream.strided.scatter [tilespmem:s1], [sflag:$0x2], $0x400, s0, s23, $0x38;
	[tilespmem:$0x1C000] =	vst v63  }
0x1e9: {  	s15 =	sadd.s32 $0x40, s31;
	s8 =	sadd.s32 $0x400, s1  }
0x1ea: {  	[hbm4b:s15+s23] =	stream.strided.scatter [tilespmem:s8], [sflag:$0x2], $0x400, s0, s23, $0x38;
	[tilespmem:$0x1C000] =	vst v63  }
0x1eb: {  	s8 =	sadd.s32 $0x800, s1;
	s15 =	sadd.s32 $0x80, s31  }
0x1ec: {  	[hbm4b:s15+s23] =	stream.strided.scatter [tilespmem:s8], [sflag:$0x2], $0x400, s0, s23, $0x38;
	[tilespmem:$0x1C000] =	vst v63  }
0x1ed: {  	s8 =	sadd.s32 $0xC00, s1;
	s15 =	sadd.s32 $0xC0, s31  }
0x1ee: {  	[hbm4b:s15+s23] =	stream.strided.scatter [tilespmem:s8], [sflag:$0x2], $0x400, s0, s23, $0x38;
	[tilespmem:$0x1C000] =	vst v63  }
0x1ef: {  	s8 =	sadd.s32 $0x1000, s1;
	s15 =	sadd.s32 $0x100, s31  }
0x1f0: {  	[hbm4b:s15+s23] =	stream.strided.scatter [tilespmem:s8], [sflag:$0x2], $0x400, s0, s23, $0x38;
	[tilespmem:$0x1C000] =	vst v63  }
.Ltmp12:
0x1f1: {  	s8 =	sadd.s32 $0x1400, s1;
	s15 =	sadd.s32 $0x140, s31;
	(pc) =	sbr.rel @p1 .LBB2_25-.Ltmp12, $4  }
0x1f2: {  	[hbm4b:s15+s23] =	stream.strided.scatter [tilespmem:s8], [sflag:$0x2], $0x400, s0, s23, $0x38;
	[tilespmem:$0x1C000] =	vst v63  }
0x1f3: {  	s8 =	sadd.s32 $0x1800, s1;
	s15 =	sadd.s32 $0x180, s31  }
0x1f4: {  	[hbm4b:s15+s23] =	stream.strided.scatter [tilespmem:s8], [sflag:$0x2], $0x400, s0, s23, $0x38;
	[tilespmem:$0x1C000] =	vst v63  }
0x1f5: {  	s15 =	sadd.s32 $0x1C00, s1;
	s1 =	sadd.s32 $0x1C0, s31;
	s31 =	sadd.s32 $0x1000, s31  }
0x1f6: {  	[hbm4b:s1+s23] =	stream.strided.scatter [tilespmem:s15], [sflag:$0x2], $0x400, s0, s23, $0x38;
	[tilespmem:$0x1C000] =	vst v63  }
0x1f7: {  	s8 =	simm.s32 $0x0  }
0x1f8: {  	[hbm4b:s18+s23] =	stream.strided.scatter [tilespmem:s8], [sflag:$0x2], $0x400, s0, s23, $0x38;
	[tilespmem:$0x1C000] =	vst v63  }
0x1f9: {  	s13 =	simm.s32 $0x400;
	s8 =	sadd.s32 $0x40, s18  }
0x1fa: {  	[hbm4b:s8+s23] =	stream.strided.scatter [tilespmem:s13], [sflag:$0x2], $0x400, s0, s23, $0x38;
	[tilespmem:$0x1C000] =	vst v63  }
0x1fb: {  	s15 =	simm.s32 $0x800;
	s29 =	sadd.s32 $0x80, s18  }
0x1fc: {  	[hbm4b:s29+s23] =	stream.strided.scatter [tilespmem:s15], [sflag:$0x2], $0x400, s0, s23, $0x38;
	[tilespmem:$0x1C000] =	vst v63  }
0x1fd: {  	s8 =	simm.s32 $0xC00;
	s13 =	sadd.s32 $0xC0, s18  }
0x1fe: {  	[hbm4b:s13+s23] =	stream.strided.scatter [tilespmem:s8], [sflag:$0x2], $0x400, s0, s23, $0x38;
	[tilespmem:$0x1C000] =	vst v63  }
0x1ff: {  	s15 =	simm.s32 $0x1000;
	s29 =	sadd.s32 $0x100, s18  }
0x200: {  	[hbm4b:s29+s23] =	stream.strided.scatter [tilespmem:s15], [sflag:$0x2], $0x400, s0, s23, $0x38;
	[tilespmem:$0x1C000] =	vst v63  }
0x201: {  	s8 =	simm.s32 $0x1400;
	s13 =	sadd.s32 $0x140, s18  }
0x202: {  	[hbm4b:s13+s23] =	stream.strided.scatter [tilespmem:s8], [sflag:$0x2], $0x400, s0, s23, $0x38;
	[tilespmem:$0x1C000] =	vst v63  }
0x203: {  	s1 =	sadd.s32 $0x1C0, s18;
	s15 =	simm.s32 $0x1800;
	s29 =	sadd.s32 $0x180, s18  }
0x204: {  	[hbm4b:s29+s23] =	stream.strided.scatter [tilespmem:s15], [sflag:$0x2], $0x400, s0, s23, $0x38;
	[tilespmem:$0x1C000] =	vst v63  }
0x205: {  	s31 =	sadd.s32 $0x1000, s18;
	s13 =	simm.s32 $0x8000;
	s15 =	simm.s32 $0x1C00  }
.LBB2_27:
0x206: {  	[hbm4b:s1+s23] =	stream.strided.scatter [tilespmem:s15], [sflag:$0x2], $0x400, s0, s23, $0x38;
	[tilespmem:$0x1C000] =	vst v63  }
0x207: {  	s1 =	sshra.s32 s13, $0x2;
	p1 =	sne.s32 s13, $0x30000;
	s13 =	sadd.s32 $0x8000, s13  }
0x208: {  	[hbm4b:s31+s23] =	stream.strided.scatter [tilespmem:s1], [sflag:$0x2], $0x400, s0, s23, $0x38;
	[tilespmem:$0x1C000] =	vst v63  }
0x209: {  	s15 =	sadd.s32 $0x40, s31;
	s8 =	sadd.s32 $0x400, s1  }
0x20a: {  	[hbm4b:s15+s23] =	stream.strided.scatter [tilespmem:s8], [sflag:$0x2], $0x400, s0, s23, $0x38;
	[tilespmem:$0x1C000] =	vst v63  }
0x20b: {  	s8 =	sadd.s32 $0x800, s1;
	s15 =	sadd.s32 $0x80, s31  }
0x20c: {  	[hbm4b:s15+s23] =	stream.strided.scatter [tilespmem:s8], [sflag:$0x2], $0x400, s0, s23, $0x38;
	[tilespmem:$0x1C000] =	vst v63  }
0x20d: {  	s8 =	sadd.s32 $0xC00, s1;
	s15 =	sadd.s32 $0xC0, s31  }
0x20e: {  	[hbm4b:s15+s23] =	stream.strided.scatter [tilespmem:s8], [sflag:$0x2], $0x400, s0, s23, $0x38;
	[tilespmem:$0x1C000] =	vst v63  }
0x20f: {  	s8 =	sadd.s32 $0x1000, s1;
	s15 =	sadd.s32 $0x100, s31  }
0x210: {  	[hbm4b:s15+s23] =	stream.strided.scatter [tilespmem:s8], [sflag:$0x2], $0x400, s0, s23, $0x38;
	[tilespmem:$0x1C000] =	vst v63  }
.Ltmp13:
0x211: {  	s8 =	sadd.s32 $0x1400, s1;
	s15 =	sadd.s32 $0x140, s31;
	(pc) =	sbr.rel @p1 .LBB2_27-.Ltmp13, $4  }
0x212: {  	[hbm4b:s15+s23] =	stream.strided.scatter [tilespmem:s8], [sflag:$0x2], $0x400, s0, s23, $0x38;
	[tilespmem:$0x1C000] =	vst v63  }
0x213: {  	s8 =	sadd.s32 $0x1800, s1;
	s15 =	sadd.s32 $0x180, s31  }
0x214: {  	[hbm4b:s15+s23] =	stream.strided.scatter [tilespmem:s8], [sflag:$0x2], $0x400, s0, s23, $0x38;
	[tilespmem:$0x1C000] =	vst v63  }
0x215: {  	s15 =	sadd.s32 $0x1C00, s1;
	s1 =	sadd.s32 $0x1C0, s31;
	s31 =	sadd.s32 $0x1000, s31  }
0x216: {  	[hbm4b:s1+s23] =	stream.strided.scatter [tilespmem:s15], [sflag:$0x2], $0x400, s0, s23, $0x38;
	[tilespmem:$0x1C000] =	vst v63  }
0x217: {  	_ =	swait.ge [sflag:s30], $0xE000  }
0x218: {  	[sflag:s30] =	ssyncset.done $0x0  }
0x219: {  	[sflag:s30] =	ssyncadd.s32 $0xFFFF2000  }
0x21a: {  	_ =	swait.ge [sflag:s2], $0xE000  }
0x21b: {  	[sflag:s2] =	ssyncset.done $0x0  }
0x21c: {  	[sflag:s2] =	ssyncadd.s32 $0xFFFF2000  }
0x21d: {  	_ =	swait.ge [sflag:s2], $0xE000  }
0x21e: {  	[sflag:s2] =	ssyncset.done $0x0  }
0x21f: {  	[sflag:s2] =	ssyncadd.s32 $0xFFFF2000  }
0x220: {  	_ =	swait.ge [sflag:s2], $0xE000  }
0x221: {  	[sflag:s2] =	ssyncset.done $0x0  }
0x222: {  	[sflag:s2] =	ssyncadd.s32 $0xFFFF2000  }
0x223: {  	_ =	swait.ge [sflag:s2], $0xE000  }
0x224: {  	[sflag:s2] =	ssyncset.done $0x0  }
0x225: {  	s15 =	simm.s32 $0x0;
	s8 =	rddreg [dreg:$0x7];
	[sflag:s2] =	ssyncadd.s32 $0xFFFF2000  }
0x226: {  	[tilespmem:s15], [sflag:$0x1] =	stream.linear.gather [hbm4b:s8+s15], $0x8000, $0x38;
	[tilespmem:$0x1C000] =	vst v63  }
0x227: {  	s8 =	simm.s32 $0xE000  }
0x228: {  	[hbm4b:s19+s23] =	stream.strided.scatter [tilespmem:s8], [sflag:$0x3], $0x400, s0, s23, $0x38;
	[tilespmem:$0x1C000] =	vst v63  }
0x229: {  	s13 =	simm.s32 $0xE400;
	s15 =	sadd.s32 $0x40, s19  }
0x22a: {  	[hbm4b:s15+s23] =	stream.strided.scatter [tilespmem:s13], [sflag:$0x3], $0x400, s0, s23, $0x38;
	[tilespmem:$0x1C000] =	vst v63  }
0x22b: {  	s13 =	simm.s32 $0xE800;
	s15 =	sadd.s32 $0x80, s19  }
0x22c: {  	[hbm4b:s15+s23] =	stream.strided.scatter [tilespmem:s13], [sflag:$0x3], $0x400, s0, s23, $0x38;
	[tilespmem:$0x1C000] =	vst v63  }
0x22d: {  	s13 =	simm.s32 $0xEC00;
	s15 =	sadd.s32 $0xC0, s19  }
0x22e: {  	[hbm4b:s15+s23] =	stream.strided.scatter [tilespmem:s13], [sflag:$0x3], $0x400, s0, s23, $0x38;
	[tilespmem:$0x1C000] =	vst v63  }
0x22f: {  	s13 =	simm.s32 $0xF000;
	s15 =	sadd.s32 $0x100, s19  }
0x230: {  	[hbm4b:s15+s23] =	stream.strided.scatter [tilespmem:s13], [sflag:$0x3], $0x400, s0, s23, $0x38;
	[tilespmem:$0x1C000] =	vst v63  }
0x231: {  	s29 =	simm.s32 $0xFC00;
	s13 =	simm.s32 $0xF400;
	s15 =	sadd.s32 $0x140, s19  }
0x232: {  	[hbm4b:s15+s23] =	stream.strided.scatter [tilespmem:s13], [sflag:$0x3], $0x400, s0, s23, $0x38;
	[tilespmem:$0x1C000] =	vst v63  }
0x233: {  	s1 =	sadd.s32 $0x1C0, s19;
	s13 =	simm.s32 $0xF800;
	s15 =	sadd.s32 $0x180, s19  }
0x234: {  	[hbm4b:s15+s23] =	stream.strided.scatter [tilespmem:s13], [sflag:$0x3], $0x400, s0, s23, $0x38;
	[tilespmem:$0x1C000] =	vst v63  }
0x235: {  	s31 =	sadd.s32 $0x1000, s19;
	s13 =	simm.s32 $0x2000;
	s15 =	simm.s32 $0x10000  }
.LBB2_29:
0x236: {  	[hbm4b:s1+s23] =	stream.strided.scatter [tilespmem:s29], [sflag:$0x3], $0x400, s0, s23, $0x38;
	[tilespmem:$0x1C000] =	vst v63  }
0x237: {  	s1 =	smov.u32 s13;
	s8 =	smov.u32 s15  }
0x238: {  	s13 =	sshra.s32 s8, $0x2;
	s8 =	sadd.s32 $0x8000, s15;
	s29 =	sadd.s32 $0xE000, s1  }
0x239: {  	[hbm4b:s31+s23] =	stream.strided.scatter [tilespmem:s29], [sflag:$0x3], $0x400, s0, s23, $0x38;
	[tilespmem:$0x1C000] =	vst v63  }
0x23a: {  	p1 =	sne.s32 s15, $0x30000;
	s15 =	sadd.s32 $0xE400, s1;
	s29 =	sadd.s32 $0x40, s31  }
0x23b: {  	[hbm4b:s29+s23] =	stream.strided.scatter [tilespmem:s15], [sflag:$0x3], $0x400, s0, s23, $0x38;
	[tilespmem:$0x1C000] =	vst v63  }
0x23c: {  	s15 =	sadd.s32 $0xE800, s1;
	s29 =	sadd.s32 $0x80, s31  }
0x23d: {  	[hbm4b:s29+s23] =	stream.strided.scatter [tilespmem:s15], [sflag:$0x3], $0x400, s0, s23, $0x38;
	[tilespmem:$0x1C000] =	vst v63  }
0x23e: {  	s15 =	sadd.s32 $0xEC00, s1;
	s29 =	sadd.s32 $0xC0, s31  }
0x23f: {  	[hbm4b:s29+s23] =	stream.strided.scatter [tilespmem:s15], [sflag:$0x3], $0x400, s0, s23, $0x38;
	[tilespmem:$0x1C000] =	vst v63  }
0x240: {  	s15 =	sadd.s32 $0xF000, s1;
	s29 =	sadd.s32 $0x100, s31  }
0x241: {  	[hbm4b:s29+s23] =	stream.strided.scatter [tilespmem:s15], [sflag:$0x3], $0x400, s0, s23, $0x38;
	[tilespmem:$0x1C000] =	vst v63  }
0x242: {  	s15 =	sadd.s32 $0xF400, s1;
	s29 =	sadd.s32 $0x140, s31  }
0x243: {  	[hbm4b:s29+s23] =	stream.strided.scatter [tilespmem:s15], [sflag:$0x3], $0x400, s0, s23, $0x38;
	[tilespmem:$0x1C000] =	vst v63  }
.Ltmp14:
0x244: {  	_ = 	snop;
	(pc) =	sbr.rel @p1 .LBB2_29-.Ltmp14, $4  }
0x245: {  	s15 =	sadd.s32 $0xF800, s1;
	s29 =	sadd.s32 $0x180, s31  }
0x246: {  	[hbm4b:s29+s23] =	stream.strided.scatter [tilespmem:s15], [sflag:$0x3], $0x400, s0, s23, $0x38;
	[tilespmem:$0x1C000] =	vst v63  }
0x247: {  	s29 =	sadd.s32 $0xFC00, s1  }
0x248: {  	s1 =	sadd.s32 $0x1C0, s31;
	s31 =	sadd.s32 $0x1000, s31;
	s15 =	smov.u32 s8  }
0x249: {  	[hbm4b:s1+s23] =	stream.strided.scatter [tilespmem:s29], [sflag:$0x3], $0x400, s0, s23, $0x38;
	[tilespmem:$0x1C000] =	vst v63  }
0x24a: {  	s8 =	sadd.s32 $0xE000, s13  }
0x24b: {  	[hbm4b:s31+s23] =	stream.strided.scatter [tilespmem:s8], [sflag:$0x3], $0x400, s0, s23, $0x38;
	[tilespmem:$0x1C000] =	vst v63  }
0x24c: {  	s15 =	sadd.s32 $0xE400, s13;
	s8 =	sadd.s32 $0x40, s31  }
0x24d: {  	[hbm4b:s8+s23] =	stream.strided.scatter [tilespmem:s15], [sflag:$0x3], $0x400, s0, s23, $0x38;
	[tilespmem:$0x1C000] =	vst v63  }
0x24e: {  	s8 =	sadd.s32 $0xE800, s13;
	s15 =	sadd.s32 $0x80, s31  }
0x24f: {  	[hbm4b:s15+s23] =	stream.strided.scatter [tilespmem:s8], [sflag:$0x3], $0x400, s0, s23, $0x38;
	[tilespmem:$0x1C000] =	vst v63  }
0x250: {  	s8 =	sadd.s32 $0xEC00, s13;
	s15 =	sadd.s32 $0xC0, s31  }
0x251: {  	[hbm4b:s15+s23] =	stream.strided.scatter [tilespmem:s8], [sflag:$0x3], $0x400, s0, s23, $0x38;
	[tilespmem:$0x1C000] =	vst v63  }
0x252: {  	s8 =	sadd.s32 $0xF000, s13;
	s15 =	sadd.s32 $0x100, s31  }
0x253: {  	[hbm4b:s15+s23] =	stream.strided.scatter [tilespmem:s8], [sflag:$0x3], $0x400, s0, s23, $0x38;
	[tilespmem:$0x1C000] =	vst v63  }
0x254: {  	s8 =	sadd.s32 $0xF400, s13;
	s15 =	sadd.s32 $0x140, s31  }
0x255: {  	[hbm4b:s15+s23] =	stream.strided.scatter [tilespmem:s8], [sflag:$0x3], $0x400, s0, s23, $0x38;
	[tilespmem:$0x1C000] =	vst v63  }
0x256: {  	s8 =	sadd.s32 $0xF800, s13;
	s15 =	sadd.s32 $0x180, s31  }
0x257: {  	[hbm4b:s15+s23] =	stream.strided.scatter [tilespmem:s8], [sflag:$0x3], $0x400, s0, s23, $0x38;
	[tilespmem:$0x1C000] =	vst v63  }
0x258: {  	s13 =	sadd.s32 $0xFC00, s13;
	s15 =	sadd.s32 $0x1C0, s31  }
0x259: {  	[hbm4b:s15+s23] =	stream.strided.scatter [tilespmem:s13], [sflag:$0x3], $0x400, s0, s23, $0x38;
	[tilespmem:$0x1C000] =	vst v63  }
0x25a: {  	s8 =	simm.s32 $0xE000  }
0x25b: {  	[hbm4b:s20+s23] =	stream.strided.scatter [tilespmem:s8], [sflag:$0x3], $0x400, s0, s23, $0x38;
	[tilespmem:$0x1C000] =	vst v63  }
0x25c: {  	s13 =	simm.s32 $0xE400;
	s15 =	sadd.s32 $0x40, s20  }
0x25d: {  	[hbm4b:s15+s23] =	stream.strided.scatter [tilespmem:s13], [sflag:$0x3], $0x400, s0, s23, $0x38;
	[tilespmem:$0x1C000] =	vst v63  }
0x25e: {  	s13 =	simm.s32 $0xE800;
	s15 =	sadd.s32 $0x80, s20  }
0x25f: {  	[hbm4b:s15+s23] =	stream.strided.scatter [tilespmem:s13], [sflag:$0x3], $0x400, s0, s23, $0x38;
	[tilespmem:$0x1C000] =	vst v63  }
0x260: {  	s13 =	simm.s32 $0xEC00;
	s15 =	sadd.s32 $0xC0, s20  }
0x261: {  	[hbm4b:s15+s23] =	stream.strided.scatter [tilespmem:s13], [sflag:$0x3], $0x400, s0, s23, $0x38;
	[tilespmem:$0x1C000] =	vst v63  }
0x262: {  	s13 =	simm.s32 $0xF000;
	s15 =	sadd.s32 $0x100, s20  }
0x263: {  	[hbm4b:s15+s23] =	stream.strided.scatter [tilespmem:s13], [sflag:$0x3], $0x400, s0, s23, $0x38;
	[tilespmem:$0x1C000] =	vst v63  }
0x264: {  	s29 =	simm.s32 $0xFC00;
	s13 =	simm.s32 $0xF400;
	s15 =	sadd.s32 $0x140, s20  }
0x265: {  	[hbm4b:s15+s23] =	stream.strided.scatter [tilespmem:s13], [sflag:$0x3], $0x400, s0, s23, $0x38;
	[tilespmem:$0x1C000] =	vst v63  }
0x266: {  	s1 =	sadd.s32 $0x1C0, s20;
	s13 =	simm.s32 $0xF800;
	s15 =	sadd.s32 $0x180, s20  }
0x267: {  	[hbm4b:s15+s23] =	stream.strided.scatter [tilespmem:s13], [sflag:$0x3], $0x400, s0, s23, $0x38;
	[tilespmem:$0x1C000] =	vst v63  }
0x268: {  	s31 =	sadd.s32 $0x1000, s20;
	s13 =	simm.s32 $0x2000;
	s15 =	simm.s32 $0x10000  }
.LBB2_31:
0x269: {  	[hbm4b:s1+s23] =	stream.strided.scatter [tilespmem:s29], [sflag:$0x3], $0x400, s0, s23, $0x38;
	[tilespmem:$0x1C000] =	vst v63  }
0x26a: {  	s1 =	smov.u32 s13;
	s8 =	smov.u32 s15  }
0x26b: {  	s13 =	sshra.s32 s8, $0x2;
	s8 =	sadd.s32 $0x8000, s15;
	s29 =	sadd.s32 $0xE000, s1  }
0x26c: {  	[hbm4b:s31+s23] =	stream.strided.scatter [tilespmem:s29], [sflag:$0x3], $0x400, s0, s23, $0x38;
	[tilespmem:$0x1C000] =	vst v63  }
0x26d: {  	p1 =	sne.s32 s15, $0x30000;
	s15 =	sadd.s32 $0xE400, s1;
	s29 =	sadd.s32 $0x40, s31  }
0x26e: {  	[hbm4b:s29+s23] =	stream.strided.scatter [tilespmem:s15], [sflag:$0x3], $0x400, s0, s23, $0x38;
	[tilespmem:$0x1C000] =	vst v63  }
0x26f: {  	s15 =	sadd.s32 $0xE800, s1;
	s29 =	sadd.s32 $0x80, s31  }
0x270: {  	[hbm4b:s29+s23] =	stream.strided.scatter [tilespmem:s15], [sflag:$0x3], $0x400, s0, s23, $0x38;
	[tilespmem:$0x1C000] =	vst v63  }
0x271: {  	s15 =	sadd.s32 $0xEC00, s1;
	s29 =	sadd.s32 $0xC0, s31  }
0x272: {  	[hbm4b:s29+s23] =	stream.strided.scatter [tilespmem:s15], [sflag:$0x3], $0x400, s0, s23, $0x38;
	[tilespmem:$0x1C000] =	vst v63  }
0x273: {  	s15 =	sadd.s32 $0xF000, s1;
	s29 =	sadd.s32 $0x100, s31  }
0x274: {  	[hbm4b:s29+s23] =	stream.strided.scatter [tilespmem:s15], [sflag:$0x3], $0x400, s0, s23, $0x38;
	[tilespmem:$0x1C000] =	vst v63  }
0x275: {  	s15 =	sadd.s32 $0xF400, s1;
	s29 =	sadd.s32 $0x140, s31  }
0x276: {  	[hbm4b:s29+s23] =	stream.strided.scatter [tilespmem:s15], [sflag:$0x3], $0x400, s0, s23, $0x38;
	[tilespmem:$0x1C000] =	vst v63  }
.Ltmp15:
0x277: {  	_ = 	snop;
	(pc) =	sbr.rel @p1 .LBB2_31-.Ltmp15, $4  }
0x278: {  	s15 =	sadd.s32 $0xF800, s1;
	s29 =	sadd.s32 $0x180, s31  }
0x279: {  	[hbm4b:s29+s23] =	stream.strided.scatter [tilespmem:s15], [sflag:$0x3], $0x400, s0, s23, $0x38;
	[tilespmem:$0x1C000] =	vst v63  }
0x27a: {  	s29 =	sadd.s32 $0xFC00, s1  }
0x27b: {  	s1 =	sadd.s32 $0x1C0, s31;
	s31 =	sadd.s32 $0x1000, s31;
	s15 =	smov.u32 s8  }
0x27c: {  	[hbm4b:s1+s23] =	stream.strided.scatter [tilespmem:s29], [sflag:$0x3], $0x400, s0, s23, $0x38;
	[tilespmem:$0x1C000] =	vst v63  }
0x27d: {  	s8 =	sadd.s32 $0xE000, s13  }
0x27e: {  	[hbm4b:s31+s23] =	stream.strided.scatter [tilespmem:s8], [sflag:$0x3], $0x400, s0, s23, $0x38;
	[tilespmem:$0x1C000] =	vst v63  }
0x27f: {  	s15 =	sadd.s32 $0xE400, s13;
	s8 =	sadd.s32 $0x40, s31  }
0x280: {  	[hbm4b:s8+s23] =	stream.strided.scatter [tilespmem:s15], [sflag:$0x3], $0x400, s0, s23, $0x38;
	[tilespmem:$0x1C000] =	vst v63  }
0x281: {  	s8 =	sadd.s32 $0xE800, s13;
	s15 =	sadd.s32 $0x80, s31  }
0x282: {  	[hbm4b:s15+s23] =	stream.strided.scatter [tilespmem:s8], [sflag:$0x3], $0x400, s0, s23, $0x38;
	[tilespmem:$0x1C000] =	vst v63  }
0x283: {  	s8 =	sadd.s32 $0xEC00, s13;
	s15 =	sadd.s32 $0xC0, s31  }
0x284: {  	[hbm4b:s15+s23] =	stream.strided.scatter [tilespmem:s8], [sflag:$0x3], $0x400, s0, s23, $0x38;
	[tilespmem:$0x1C000] =	vst v63  }
0x285: {  	s8 =	sadd.s32 $0xF000, s13;
	s15 =	sadd.s32 $0x100, s31  }
0x286: {  	[hbm4b:s15+s23] =	stream.strided.scatter [tilespmem:s8], [sflag:$0x3], $0x400, s0, s23, $0x38;
	[tilespmem:$0x1C000] =	vst v63  }
0x287: {  	s8 =	sadd.s32 $0xF400, s13;
	s15 =	sadd.s32 $0x140, s31  }
0x288: {  	[hbm4b:s15+s23] =	stream.strided.scatter [tilespmem:s8], [sflag:$0x3], $0x400, s0, s23, $0x38;
	[tilespmem:$0x1C000] =	vst v63  }
0x289: {  	s8 =	sadd.s32 $0xF800, s13;
	s15 =	sadd.s32 $0x180, s31  }
0x28a: {  	[hbm4b:s15+s23] =	stream.strided.scatter [tilespmem:s8], [sflag:$0x3], $0x400, s0, s23, $0x38;
	[tilespmem:$0x1C000] =	vst v63  }
0x28b: {  	s13 =	sadd.s32 $0xFC00, s13;
	s15 =	sadd.s32 $0x1C0, s31  }
0x28c: {  	[hbm4b:s15+s23] =	stream.strided.scatter [tilespmem:s13], [sflag:$0x3], $0x400, s0, s23, $0x38;
	[tilespmem:$0x1C000] =	vst v63  }
0x28d: {  	s8 =	simm.s32 $0xE000  }
0x28e: {  	[hbm4b:s21+s23] =	stream.strided.scatter [tilespmem:s8], [sflag:$0x3], $0x400, s0, s23, $0x38;
	[tilespmem:$0x1C000] =	vst v63  }
0x28f: {  	s13 =	simm.s32 $0xE400;
	s15 =	sadd.s32 $0x40, s21  }
0x290: {  	[hbm4b:s15+s23] =	stream.strided.scatter [tilespmem:s13], [sflag:$0x3], $0x400, s0, s23, $0x38;
	[tilespmem:$0x1C000] =	vst v63  }
0x291: {  	s13 =	simm.s32 $0xE800;
	s15 =	sadd.s32 $0x80, s21  }
0x292: {  	[hbm4b:s15+s23] =	stream.strided.scatter [tilespmem:s13], [sflag:$0x3], $0x400, s0, s23, $0x38;
	[tilespmem:$0x1C000] =	vst v63  }
0x293: {  	s13 =	simm.s32 $0xEC00;
	s15 =	sadd.s32 $0xC0, s21  }
0x294: {  	[hbm4b:s15+s23] =	stream.strided.scatter [tilespmem:s13], [sflag:$0x3], $0x400, s0, s23, $0x38;
	[tilespmem:$0x1C000] =	vst v63  }
0x295: {  	s13 =	simm.s32 $0xF000;
	s15 =	sadd.s32 $0x100, s21  }
0x296: {  	[hbm4b:s15+s23] =	stream.strided.scatter [tilespmem:s13], [sflag:$0x3], $0x400, s0, s23, $0x38;
	[tilespmem:$0x1C000] =	vst v63  }
0x297: {  	s29 =	simm.s32 $0xFC00;
	s13 =	simm.s32 $0xF400;
	s15 =	sadd.s32 $0x140, s21  }
0x298: {  	[hbm4b:s15+s23] =	stream.strided.scatter [tilespmem:s13], [sflag:$0x3], $0x400, s0, s23, $0x38;
	[tilespmem:$0x1C000] =	vst v63  }
0x299: {  	s1 =	sadd.s32 $0x1C0, s21;
	s13 =	simm.s32 $0xF800;
	s15 =	sadd.s32 $0x180, s21  }
0x29a: {  	[hbm4b:s15+s23] =	stream.strided.scatter [tilespmem:s13], [sflag:$0x3], $0x400, s0, s23, $0x38;
	[tilespmem:$0x1C000] =	vst v63  }
0x29b: {  	s31 =	sadd.s32 $0x1000, s21;
	s13 =	simm.s32 $0x2000;
	s15 =	simm.s32 $0x10000  }
.LBB2_33:
0x29c: {  	[hbm4b:s1+s23] =	stream.strided.scatter [tilespmem:s29], [sflag:$0x3], $0x400, s0, s23, $0x38;
	[tilespmem:$0x1C000] =	vst v63  }
0x29d: {  	s1 =	smov.u32 s13;
	s8 =	smov.u32 s15  }
0x29e: {  	s13 =	sshra.s32 s8, $0x2;
	s8 =	sadd.s32 $0x8000, s15;
	s29 =	sadd.s32 $0xE000, s1  }
0x29f: {  	[hbm4b:s31+s23] =	stream.strided.scatter [tilespmem:s29], [sflag:$0x3], $0x400, s0, s23, $0x38;
	[tilespmem:$0x1C000] =	vst v63  }
0x2a0: {  	p1 =	sne.s32 s15, $0x30000;
	s15 =	sadd.s32 $0xE400, s1;
	s29 =	sadd.s32 $0x40, s31  }
0x2a1: {  	[hbm4b:s29+s23] =	stream.strided.scatter [tilespmem:s15], [sflag:$0x3], $0x400, s0, s23, $0x38;
	[tilespmem:$0x1C000] =	vst v63  }
0x2a2: {  	s15 =	sadd.s32 $0xE800, s1;
	s29 =	sadd.s32 $0x80, s31  }
0x2a3: {  	[hbm4b:s29+s23] =	stream.strided.scatter [tilespmem:s15], [sflag:$0x3], $0x400, s0, s23, $0x38;
	[tilespmem:$0x1C000] =	vst v63  }
0x2a4: {  	s15 =	sadd.s32 $0xEC00, s1;
	s29 =	sadd.s32 $0xC0, s31  }
0x2a5: {  	[hbm4b:s29+s23] =	stream.strided.scatter [tilespmem:s15], [sflag:$0x3], $0x400, s0, s23, $0x38;
	[tilespmem:$0x1C000] =	vst v63  }
0x2a6: {  	s15 =	sadd.s32 $0xF000, s1;
	s29 =	sadd.s32 $0x100, s31  }
0x2a7: {  	[hbm4b:s29+s23] =	stream.strided.scatter [tilespmem:s15], [sflag:$0x3], $0x400, s0, s23, $0x38;
	[tilespmem:$0x1C000] =	vst v63  }
0x2a8: {  	s15 =	sadd.s32 $0xF400, s1;
	s29 =	sadd.s32 $0x140, s31  }
0x2a9: {  	[hbm4b:s29+s23] =	stream.strided.scatter [tilespmem:s15], [sflag:$0x3], $0x400, s0, s23, $0x38;
	[tilespmem:$0x1C000] =	vst v63  }
.Ltmp16:
0x2aa: {  	_ = 	snop;
	(pc) =	sbr.rel @p1 .LBB2_33-.Ltmp16, $4  }
0x2ab: {  	s15 =	sadd.s32 $0xF800, s1;
	s29 =	sadd.s32 $0x180, s31  }
0x2ac: {  	[hbm4b:s29+s23] =	stream.strided.scatter [tilespmem:s15], [sflag:$0x3], $0x400, s0, s23, $0x38;
	[tilespmem:$0x1C000] =	vst v63  }
0x2ad: {  	s29 =	sadd.s32 $0xFC00, s1  }
0x2ae: {  	s1 =	sadd.s32 $0x1C0, s31;
	s31 =	sadd.s32 $0x1000, s31;
	s15 =	smov.u32 s8  }
0x2af: {  	[hbm4b:s1+s23] =	stream.strided.scatter [tilespmem:s29], [sflag:$0x3], $0x400, s0, s23, $0x38;
	[tilespmem:$0x1C000] =	vst v63  }
0x2b0: {  	s8 =	sadd.s32 $0xE000, s13  }
0x2b1: {  	[hbm4b:s31+s23] =	stream.strided.scatter [tilespmem:s8], [sflag:$0x3], $0x400, s0, s23, $0x38;
	[tilespmem:$0x1C000] =	vst v63  }
0x2b2: {  	s15 =	sadd.s32 $0xE400, s13;
	s8 =	sadd.s32 $0x40, s31  }
0x2b3: {  	[hbm4b:s8+s23] =	stream.strided.scatter [tilespmem:s15], [sflag:$0x3], $0x400, s0, s23, $0x38;
	[tilespmem:$0x1C000] =	vst v63  }
0x2b4: {  	s8 =	sadd.s32 $0xE800, s13;
	s15 =	sadd.s32 $0x80, s31  }
0x2b5: {  	[hbm4b:s15+s23] =	stream.strided.scatter [tilespmem:s8], [sflag:$0x3], $0x400, s0, s23, $0x38;
	[tilespmem:$0x1C000] =	vst v63  }
0x2b6: {  	s8 =	sadd.s32 $0xEC00, s13;
	s15 =	sadd.s32 $0xC0, s31  }
0x2b7: {  	[hbm4b:s15+s23] =	stream.strided.scatter [tilespmem:s8], [sflag:$0x3], $0x400, s0, s23, $0x38;
	[tilespmem:$0x1C000] =	vst v63  }
0x2b8: {  	s8 =	sadd.s32 $0xF000, s13;
	s15 =	sadd.s32 $0x100, s31  }
0x2b9: {  	[hbm4b:s15+s23] =	stream.strided.scatter [tilespmem:s8], [sflag:$0x3], $0x400, s0, s23, $0x38;
	[tilespmem:$0x1C000] =	vst v63  }
0x2ba: {  	s8 =	sadd.s32 $0xF400, s13;
	s15 =	sadd.s32 $0x140, s31  }
0x2bb: {  	[hbm4b:s15+s23] =	stream.strided.scatter [tilespmem:s8], [sflag:$0x3], $0x400, s0, s23, $0x38;
	[tilespmem:$0x1C000] =	vst v63  }
0x2bc: {  	s8 =	sadd.s32 $0xF800, s13;
	s15 =	sadd.s32 $0x180, s31  }
0x2bd: {  	[hbm4b:s15+s23] =	stream.strided.scatter [tilespmem:s8], [sflag:$0x3], $0x400, s0, s23, $0x38;
	[tilespmem:$0x1C000] =	vst v63  }
0x2be: {  	s13 =	sadd.s32 $0xFC00, s13;
	s15 =	sadd.s32 $0x1C0, s31  }
0x2bf: {  	[hbm4b:s15+s23] =	stream.strided.scatter [tilespmem:s13], [sflag:$0x3], $0x400, s0, s23, $0x38;
	[tilespmem:$0x1C000] =	vst v63  }
0x2c0: {  	s8 =	simm.s32 $0xE000  }
0x2c1: {  	[hbm4b:s22+s23] =	stream.strided.scatter [tilespmem:s8], [sflag:$0x3], $0x400, s0, s23, $0x38;
	[tilespmem:$0x1C000] =	vst v63  }
0x2c2: {  	s13 =	simm.s32 $0xE400;
	s15 =	sadd.s32 $0x40, s22  }
0x2c3: {  	[hbm4b:s15+s23] =	stream.strided.scatter [tilespmem:s13], [sflag:$0x3], $0x400, s0, s23, $0x38;
	[tilespmem:$0x1C000] =	vst v63  }
0x2c4: {  	s13 =	simm.s32 $0xE800;
	s15 =	sadd.s32 $0x80, s22  }
0x2c5: {  	[hbm4b:s15+s23] =	stream.strided.scatter [tilespmem:s13], [sflag:$0x3], $0x400, s0, s23, $0x38;
	[tilespmem:$0x1C000] =	vst v63  }
0x2c6: {  	s13 =	simm.s32 $0xEC00;
	s15 =	sadd.s32 $0xC0, s22  }
0x2c7: {  	[hbm4b:s15+s23] =	stream.strided.scatter [tilespmem:s13], [sflag:$0x3], $0x400, s0, s23, $0x38;
	[tilespmem:$0x1C000] =	vst v63  }
0x2c8: {  	s13 =	simm.s32 $0xF000;
	s15 =	sadd.s32 $0x100, s22  }
0x2c9: {  	[hbm4b:s15+s23] =	stream.strided.scatter [tilespmem:s13], [sflag:$0x3], $0x400, s0, s23, $0x38;
	[tilespmem:$0x1C000] =	vst v63  }
0x2ca: {  	s29 =	simm.s32 $0xFC00;
	s13 =	simm.s32 $0xF400;
	s15 =	sadd.s32 $0x140, s22  }
0x2cb: {  	[hbm4b:s15+s23] =	stream.strided.scatter [tilespmem:s13], [sflag:$0x3], $0x400, s0, s23, $0x38;
	[tilespmem:$0x1C000] =	vst v63  }
0x2cc: {  	s1 =	sadd.s32 $0x1C0, s22;
	s13 =	simm.s32 $0xF800;
	s15 =	sadd.s32 $0x180, s22  }
0x2cd: {  	[hbm4b:s15+s23] =	stream.strided.scatter [tilespmem:s13], [sflag:$0x3], $0x400, s0, s23, $0x38;
	[tilespmem:$0x1C000] =	vst v63  }
0x2ce: {  	s31 =	sadd.s32 $0x1000, s22;
	s13 =	simm.s32 $0x2000;
	s15 =	simm.s32 $0x10000  }
.LBB2_35:
0x2cf: {  	[hbm4b:s1+s23] =	stream.strided.scatter [tilespmem:s29], [sflag:$0x3], $0x400, s0, s23, $0x38;
	[tilespmem:$0x1C000] =	vst v63  }
0x2d0: {  	s1 =	smov.u32 s13;
	s8 =	smov.u32 s15  }
0x2d1: {  	s13 =	sshra.s32 s8, $0x2;
	s8 =	sadd.s32 $0x8000, s15;
	s29 =	sadd.s32 $0xE000, s1  }
0x2d2: {  	[hbm4b:s31+s23] =	stream.strided.scatter [tilespmem:s29], [sflag:$0x3], $0x400, s0, s23, $0x38;
	[tilespmem:$0x1C000] =	vst v63  }
0x2d3: {  	p1 =	sne.s32 s15, $0x30000;
	s15 =	sadd.s32 $0xE400, s1;
	s29 =	sadd.s32 $0x40, s31  }
0x2d4: {  	[hbm4b:s29+s23] =	stream.strided.scatter [tilespmem:s15], [sflag:$0x3], $0x400, s0, s23, $0x38;
	[tilespmem:$0x1C000] =	vst v63  }
0x2d5: {  	s15 =	sadd.s32 $0xE800, s1;
	s29 =	sadd.s32 $0x80, s31  }
0x2d6: {  	[hbm4b:s29+s23] =	stream.strided.scatter [tilespmem:s15], [sflag:$0x3], $0x400, s0, s23, $0x38;
	[tilespmem:$0x1C000] =	vst v63  }
0x2d7: {  	s15 =	sadd.s32 $0xEC00, s1;
	s29 =	sadd.s32 $0xC0, s31  }
0x2d8: {  	[hbm4b:s29+s23] =	stream.strided.scatter [tilespmem:s15], [sflag:$0x3], $0x400, s0, s23, $0x38;
	[tilespmem:$0x1C000] =	vst v63  }
0x2d9: {  	s15 =	sadd.s32 $0xF000, s1;
	s29 =	sadd.s32 $0x100, s31  }
0x2da: {  	[hbm4b:s29+s23] =	stream.strided.scatter [tilespmem:s15], [sflag:$0x3], $0x400, s0, s23, $0x38;
	[tilespmem:$0x1C000] =	vst v63  }
0x2db: {  	s15 =	sadd.s32 $0xF400, s1;
	s29 =	sadd.s32 $0x140, s31  }
0x2dc: {  	[hbm4b:s29+s23] =	stream.strided.scatter [tilespmem:s15], [sflag:$0x3], $0x400, s0, s23, $0x38;
	[tilespmem:$0x1C000] =	vst v63  }
.Ltmp17:
0x2dd: {  	_ = 	snop;
	(pc) =	sbr.rel @p1 .LBB2_35-.Ltmp17, $4  }
0x2de: {  	s15 =	sadd.s32 $0xF800, s1;
	s29 =	sadd.s32 $0x180, s31  }
0x2df: {  	[hbm4b:s29+s23] =	stream.strided.scatter [tilespmem:s15], [sflag:$0x3], $0x400, s0, s23, $0x38;
	[tilespmem:$0x1C000] =	vst v63  }
0x2e0: {  	s29 =	sadd.s32 $0xFC00, s1  }
0x2e1: {  	s1 =	sadd.s32 $0x1C0, s31;
	s31 =	sadd.s32 $0x1000, s31;
	s15 =	smov.u32 s8  }
0x2e2: {  	[hbm4b:s1+s23] =	stream.strided.scatter [tilespmem:s29], [sflag:$0x3], $0x400, s0, s23, $0x38;
	[tilespmem:$0x1C000] =	vst v63  }
0x2e3: {  	s15 =	sadd.s32 $0xE000, s13  }
0x2e4: {  	[hbm4b:s31+s23] =	stream.strided.scatter [tilespmem:s15], [sflag:$0x3], $0x400, s0, s23, $0x38;
	[tilespmem:$0x1C000] =	vst v63  }
0x2e5: {  	s29 =	sadd.s32 $0xE400, s13;
	s8 =	sadd.s32 $0x40, s31  }
0x2e6: {  	[hbm4b:s8+s23] =	stream.strided.scatter [tilespmem:s29], [sflag:$0x3], $0x400, s0, s23, $0x38;
	[tilespmem:$0x1C000] =	vst v63  }
0x2e7: {  	s15 =	sadd.s32 $0xE800, s13;
	s29 =	sadd.s32 $0x80, s31  }
0x2e8: {  	[hbm4b:s29+s23] =	stream.strided.scatter [tilespmem:s15], [sflag:$0x3], $0x400, s0, s23, $0x38;
	[tilespmem:$0x1C000] =	vst v63  }
0x2e9: {  	s15 =	sadd.s32 $0xEC00, s13;
	s29 =	sadd.s32 $0xC0, s31  }
0x2ea: {  	[hbm4b:s29+s23] =	stream.strided.scatter [tilespmem:s15], [sflag:$0x3], $0x400, s0, s23, $0x38;
	[tilespmem:$0x1C000] =	vst v63  }
0x2eb: {  	s15 =	sadd.s32 $0xF000, s13;
	s29 =	sadd.s32 $0x100, s31  }
0x2ec: {  	[hbm4b:s29+s23] =	stream.strided.scatter [tilespmem:s15], [sflag:$0x3], $0x400, s0, s23, $0x38;
	[tilespmem:$0x1C000] =	vst v63  }
0x2ed: {  	s15 =	sadd.s32 $0xF400, s13;
	s29 =	sadd.s32 $0x140, s31  }
0x2ee: {  	[hbm4b:s29+s23] =	stream.strided.scatter [tilespmem:s15], [sflag:$0x3], $0x400, s0, s23, $0x38;
	[tilespmem:$0x1C000] =	vst v63  }
0x2ef: {  	s15 =	sadd.s32 $0xF800, s13;
	s29 =	sadd.s32 $0x180, s31  }
0x2f0: {  	[hbm4b:s29+s23] =	stream.strided.scatter [tilespmem:s15], [sflag:$0x3], $0x400, s0, s23, $0x38;
	[tilespmem:$0x1C000] =	vst v63  }
0x2f1: {  	s13 =	sadd.s32 $0xFC00, s13;
	s15 =	sadd.s32 $0x1C0, s31  }
0x2f2: {  	[hbm4b:s15+s23] =	stream.strided.scatter [tilespmem:s13], [sflag:$0x3], $0x400, s0, s23, $0x38;
	[tilespmem:$0x1C000] =	vst v63  }
0x2f3: {  	_ =	swait.ge [sflag:s30], $0x8000  }
0x2f4: {  	[sflag:s30] =	ssyncset.done $0x0  }
0x2f5: {  	s29 =	simm.s32 $0x0;
	[sflag:s30] =	ssyncadd.s32 $0xFFFF8000  }
0x2f6: {  	[hbm4b:s24+s23] =	stream.strided.scatter [tilespmem:s29], [sflag:$0x2], $0x400, s0, s23, $0x38;
	[tilespmem:$0x1C000] =	vst v63  }
0x2f7: {  	s8 =	simm.s32 $0x400;
	s13 =	sadd.s32 $0x40, s24  }
0x2f8: {  	[hbm4b:s13+s23] =	stream.strided.scatter [tilespmem:s8], [sflag:$0x2], $0x400, s0, s23, $0x38;
	[tilespmem:$0x1C000] =	vst v63  }
0x2f9: {  	s15 =	simm.s32 $0x800;
	s29 =	sadd.s32 $0x80, s24  }
0x2fa: {  	[hbm4b:s29+s23] =	stream.strided.scatter [tilespmem:s15], [sflag:$0x2], $0x400, s0, s23, $0x38;
	[tilespmem:$0x1C000] =	vst v63  }
0x2fb: {  	s8 =	simm.s32 $0xC00;
	s13 =	sadd.s32 $0xC0, s24  }
0x2fc: {  	[hbm4b:s13+s23] =	stream.strided.scatter [tilespmem:s8], [sflag:$0x2], $0x400, s0, s23, $0x38;
	[tilespmem:$0x1C000] =	vst v63  }
0x2fd: {  	s15 =	simm.s32 $0x1000;
	s29 =	sadd.s32 $0x100, s24  }
0x2fe: {  	[hbm4b:s29+s23] =	stream.strided.scatter [tilespmem:s15], [sflag:$0x2], $0x400, s0, s23, $0x38;
	[tilespmem:$0x1C000] =	vst v63  }
0x2ff: {  	s8 =	simm.s32 $0x1400;
	s13 =	sadd.s32 $0x140, s24  }
0x300: {  	[hbm4b:s13+s23] =	stream.strided.scatter [tilespmem:s8], [sflag:$0x2], $0x400, s0, s23, $0x38;
	[tilespmem:$0x1C000] =	vst v63  }
0x301: {  	s1 =	sadd.s32 $0x1C0, s24;
	s15 =	simm.s32 $0x1800;
	s29 =	sadd.s32 $0x180, s24  }
0x302: {  	[hbm4b:s29+s23] =	stream.strided.scatter [tilespmem:s15], [sflag:$0x2], $0x400, s0, s23, $0x38;
	[tilespmem:$0x1C000] =	vst v63  }
0x303: {  	s31 =	sadd.s32 $0x1000, s24;
	s13 =	simm.s32 $0x8000;
	s15 =	simm.s32 $0x1C00  }
.LBB2_37:
0x304: {  	[hbm4b:s1+s23] =	stream.strided.scatter [tilespmem:s15], [sflag:$0x2], $0x400, s0, s23, $0x38;
	[tilespmem:$0x1C000] =	vst v63  }
0x305: {  	s1 =	sshra.s32 s13, $0x2;
	p1 =	sne.s32 s13, $0x18000;
	s13 =	sadd.s32 $0x8000, s13  }
0x306: {  	[hbm4b:s31+s23] =	stream.strided.scatter [tilespmem:s1], [sflag:$0x2], $0x400, s0, s23, $0x38;
	[tilespmem:$0x1C000] =	vst v63  }
0x307: {  	s15 =	sadd.s32 $0x40, s31;
	s8 =	sadd.s32 $0x400, s1  }
0x308: {  	[hbm4b:s15+s23] =	stream.strided.scatter [tilespmem:s8], [sflag:$0x2], $0x400, s0, s23, $0x38;
	[tilespmem:$0x1C000] =	vst v63  }
0x309: {  	s8 =	sadd.s32 $0x800, s1;
	s15 =	sadd.s32 $0x80, s31  }
0x30a: {  	[hbm4b:s15+s23] =	stream.strided.scatter [tilespmem:s8], [sflag:$0x2], $0x400, s0, s23, $0x38;
	[tilespmem:$0x1C000] =	vst v63  }
0x30b: {  	s8 =	sadd.s32 $0xC00, s1;
	s15 =	sadd.s32 $0xC0, s31  }
0x30c: {  	[hbm4b:s15+s23] =	stream.strided.scatter [tilespmem:s8], [sflag:$0x2], $0x400, s0, s23, $0x38;
	[tilespmem:$0x1C000] =	vst v63  }
0x30d: {  	s8 =	sadd.s32 $0x1000, s1;
	s15 =	sadd.s32 $0x100, s31  }
0x30e: {  	[hbm4b:s15+s23] =	stream.strided.scatter [tilespmem:s8], [sflag:$0x2], $0x400, s0, s23, $0x38;
	[tilespmem:$0x1C000] =	vst v63  }
.Ltmp18:
0x30f: {  	s8 =	sadd.s32 $0x1400, s1;
	s15 =	sadd.s32 $0x140, s31;
	(pc) =	sbr.rel @p1 .LBB2_37-.Ltmp18, $4  }
0x310: {  	[hbm4b:s15+s23] =	stream.strided.scatter [tilespmem:s8], [sflag:$0x2], $0x400, s0, s23, $0x38;
	[tilespmem:$0x1C000] =	vst v63  }
0x311: {  	s8 =	sadd.s32 $0x1800, s1;
	s15 =	sadd.s32 $0x180, s31  }
0x312: {  	[hbm4b:s15+s23] =	stream.strided.scatter [tilespmem:s8], [sflag:$0x2], $0x400, s0, s23, $0x38;
	[tilespmem:$0x1C000] =	vst v63  }
0x313: {  	s15 =	sadd.s32 $0x1C00, s1;
	s1 =	sadd.s32 $0x1C0, s31;
	s31 =	sadd.s32 $0x1000, s31  }
0x314: {  	[hbm4b:s1+s23] =	stream.strided.scatter [tilespmem:s15], [sflag:$0x2], $0x400, s0, s23, $0x38;
	[tilespmem:$0x1C000] =	vst v63  }
0x315: {  	s8 =	simm.s32 $0x0  }
0x316: {  	[hbm4b:s25+s23] =	stream.strided.scatter [tilespmem:s8], [sflag:$0x2], $0x400, s0, s23, $0x38;
	[tilespmem:$0x1C000] =	vst v63  }
0x317: {  	s13 =	simm.s32 $0x400;
	s8 =	sadd.s32 $0x40, s25  }
0x318: {  	[hbm4b:s8+s23] =	stream.strided.scatter [tilespmem:s13], [sflag:$0x2], $0x400, s0, s23, $0x38;
	[tilespmem:$0x1C000] =	vst v63  }
0x319: {  	s15 =	simm.s32 $0x800;
	s29 =	sadd.s32 $0x80, s25  }
0x31a: {  	[hbm4b:s29+s23] =	stream.strided.scatter [tilespmem:s15], [sflag:$0x2], $0x400, s0, s23, $0x38;
	[tilespmem:$0x1C000] =	vst v63  }
0x31b: {  	s8 =	simm.s32 $0xC00;
	s13 =	sadd.s32 $0xC0, s25  }
0x31c: {  	[hbm4b:s13+s23] =	stream.strided.scatter [tilespmem:s8], [sflag:$0x2], $0x400, s0, s23, $0x38;
	[tilespmem:$0x1C000] =	vst v63  }
0x31d: {  	s15 =	simm.s32 $0x1000;
	s29 =	sadd.s32 $0x100, s25  }
0x31e: {  	[hbm4b:s29+s23] =	stream.strided.scatter [tilespmem:s15], [sflag:$0x2], $0x400, s0, s23, $0x38;
	[tilespmem:$0x1C000] =	vst v63  }
0x31f: {  	s8 =	simm.s32 $0x1400;
	s13 =	sadd.s32 $0x140, s25  }
0x320: {  	[hbm4b:s13+s23] =	stream.strided.scatter [tilespmem:s8], [sflag:$0x2], $0x400, s0, s23, $0x38;
	[tilespmem:$0x1C000] =	vst v63  }
0x321: {  	s1 =	sadd.s32 $0x1C0, s25;
	s15 =	simm.s32 $0x1800;
	s29 =	sadd.s32 $0x180, s25  }
0x322: {  	[hbm4b:s29+s23] =	stream.strided.scatter [tilespmem:s15], [sflag:$0x2], $0x400, s0, s23, $0x38;
	[tilespmem:$0x1C000] =	vst v63  }
0x323: {  	s31 =	sadd.s32 $0x1000, s25;
	s13 =	simm.s32 $0x8000;
	s15 =	simm.s32 $0x1C00  }
.LBB2_39:
0x324: {  	[hbm4b:s1+s23] =	stream.strided.scatter [tilespmem:s15], [sflag:$0x2], $0x400, s0, s23, $0x38;
	[tilespmem:$0x1C000] =	vst v63  }
0x325: {  	s1 =	sshra.s32 s13, $0x2;
	p1 =	sne.s32 s13, $0x18000;
	s13 =	sadd.s32 $0x8000, s13  }
0x326: {  	[hbm4b:s31+s23] =	stream.strided.scatter [tilespmem:s1], [sflag:$0x2], $0x400, s0, s23, $0x38;
	[tilespmem:$0x1C000] =	vst v63  }
0x327: {  	s15 =	sadd.s32 $0x40, s31;
	s8 =	sadd.s32 $0x400, s1  }
0x328: {  	[hbm4b:s15+s23] =	stream.strided.scatter [tilespmem:s8], [sflag:$0x2], $0x400, s0, s23, $0x38;
	[tilespmem:$0x1C000] =	vst v63  }
0x329: {  	s8 =	sadd.s32 $0x800, s1;
	s15 =	sadd.s32 $0x80, s31  }
0x32a: {  	[hbm4b:s15+s23] =	stream.strided.scatter [tilespmem:s8], [sflag:$0x2], $0x400, s0, s23, $0x38;
	[tilespmem:$0x1C000] =	vst v63  }
0x32b: {  	s8 =	sadd.s32 $0xC00, s1;
	s15 =	sadd.s32 $0xC0, s31  }
0x32c: {  	[hbm4b:s15+s23] =	stream.strided.scatter [tilespmem:s8], [sflag:$0x2], $0x400, s0, s23, $0x38;
	[tilespmem:$0x1C000] =	vst v63  }
0x32d: {  	s8 =	sadd.s32 $0x1000, s1;
	s15 =	sadd.s32 $0x100, s31  }
0x32e: {  	[hbm4b:s15+s23] =	stream.strided.scatter [tilespmem:s8], [sflag:$0x2], $0x400, s0, s23, $0x38;
	[tilespmem:$0x1C000] =	vst v63  }
.Ltmp19:
0x32f: {  	s8 =	sadd.s32 $0x1400, s1;
	s15 =	sadd.s32 $0x140, s31;
	(pc) =	sbr.rel @p1 .LBB2_39-.Ltmp19, $4  }
0x330: {  	[hbm4b:s15+s23] =	stream.strided.scatter [tilespmem:s8], [sflag:$0x2], $0x400, s0, s23, $0x38;
	[tilespmem:$0x1C000] =	vst v63  }
0x331: {  	s8 =	sadd.s32 $0x1800, s1;
	s15 =	sadd.s32 $0x180, s31  }
0x332: {  	[hbm4b:s15+s23] =	stream.strided.scatter [tilespmem:s8], [sflag:$0x2], $0x400, s0, s23, $0x38;
	[tilespmem:$0x1C000] =	vst v63  }
0x333: {  	s15 =	sadd.s32 $0x1C00, s1;
	s1 =	sadd.s32 $0x1C0, s31;
	s31 =	sadd.s32 $0x1000, s31  }
0x334: {  	[hbm4b:s1+s23] =	stream.strided.scatter [tilespmem:s15], [sflag:$0x2], $0x400, s0, s23, $0x38;
	[tilespmem:$0x1C000] =	vst v63  }
0x335: {  	s8 =	simm.s32 $0x0  }
0x336: {  	[hbm4b:s26+s23] =	stream.strided.scatter [tilespmem:s8], [sflag:$0x2], $0x400, s0, s23, $0x38;
	[tilespmem:$0x1C000] =	vst v63  }
0x337: {  	s13 =	simm.s32 $0x400;
	s8 =	sadd.s32 $0x40, s26  }
0x338: {  	[hbm4b:s8+s23] =	stream.strided.scatter [tilespmem:s13], [sflag:$0x2], $0x400, s0, s23, $0x38;
	[tilespmem:$0x1C000] =	vst v63  }
0x339: {  	s15 =	simm.s32 $0x800;
	s29 =	sadd.s32 $0x80, s26  }
0x33a: {  	[hbm4b:s29+s23] =	stream.strided.scatter [tilespmem:s15], [sflag:$0x2], $0x400, s0, s23, $0x38;
	[tilespmem:$0x1C000] =	vst v63  }
0x33b: {  	s8 =	simm.s32 $0xC00;
	s13 =	sadd.s32 $0xC0, s26  }
0x33c: {  	[hbm4b:s13+s23] =	stream.strided.scatter [tilespmem:s8], [sflag:$0x2], $0x400, s0, s23, $0x38;
	[tilespmem:$0x1C000] =	vst v63  }
0x33d: {  	s15 =	simm.s32 $0x1000;
	s29 =	sadd.s32 $0x100, s26  }
0x33e: {  	[hbm4b:s29+s23] =	stream.strided.scatter [tilespmem:s15], [sflag:$0x2], $0x400, s0, s23, $0x38;
	[tilespmem:$0x1C000] =	vst v63  }
0x33f: {  	s8 =	simm.s32 $0x1400;
	s13 =	sadd.s32 $0x140, s26  }
0x340: {  	[hbm4b:s13+s23] =	stream.strided.scatter [tilespmem:s8], [sflag:$0x2], $0x400, s0, s23, $0x38;
	[tilespmem:$0x1C000] =	vst v63  }
0x341: {  	s1 =	sadd.s32 $0x1C0, s26;
	s15 =	simm.s32 $0x1800;
	s29 =	sadd.s32 $0x180, s26  }
0x342: {  	[hbm4b:s29+s23] =	stream.strided.scatter [tilespmem:s15], [sflag:$0x2], $0x400, s0, s23, $0x38;
	[tilespmem:$0x1C000] =	vst v63  }
0x343: {  	s31 =	sadd.s32 $0x1000, s26;
	s13 =	simm.s32 $0x8000;
	s15 =	simm.s32 $0x1C00  }
.LBB2_41:
0x344: {  	[hbm4b:s1+s23] =	stream.strided.scatter [tilespmem:s15], [sflag:$0x2], $0x400, s0, s23, $0x38;
	[tilespmem:$0x1C000] =	vst v63  }
0x345: {  	s1 =	sshra.s32 s13, $0x2;
	p1 =	sne.s32 s13, $0x18000;
	s13 =	sadd.s32 $0x8000, s13  }
0x346: {  	[hbm4b:s31+s23] =	stream.strided.scatter [tilespmem:s1], [sflag:$0x2], $0x400, s0, s23, $0x38;
	[tilespmem:$0x1C000] =	vst v63  }
0x347: {  	s15 =	sadd.s32 $0x40, s31;
	s8 =	sadd.s32 $0x400, s1  }
0x348: {  	[hbm4b:s15+s23] =	stream.strided.scatter [tilespmem:s8], [sflag:$0x2], $0x400, s0, s23, $0x38;
	[tilespmem:$0x1C000] =	vst v63  }
0x349: {  	s8 =	sadd.s32 $0x800, s1;
	s15 =	sadd.s32 $0x80, s31  }
0x34a: {  	[hbm4b:s15+s23] =	stream.strided.scatter [tilespmem:s8], [sflag:$0x2], $0x400, s0, s23, $0x38;
	[tilespmem:$0x1C000] =	vst v63  }
0x34b: {  	s8 =	sadd.s32 $0xC00, s1;
	s15 =	sadd.s32 $0xC0, s31  }
0x34c: {  	[hbm4b:s15+s23] =	stream.strided.scatter [tilespmem:s8], [sflag:$0x2], $0x400, s0, s23, $0x38;
	[tilespmem:$0x1C000] =	vst v63  }
0x34d: {  	s8 =	sadd.s32 $0x1000, s1;
	s15 =	sadd.s32 $0x100, s31  }
0x34e: {  	[hbm4b:s15+s23] =	stream.strided.scatter [tilespmem:s8], [sflag:$0x2], $0x400, s0, s23, $0x38;
	[tilespmem:$0x1C000] =	vst v63  }
.Ltmp20:
0x34f: {  	s8 =	sadd.s32 $0x1400, s1;
	s15 =	sadd.s32 $0x140, s31;
	(pc) =	sbr.rel @p1 .LBB2_41-.Ltmp20, $4  }
0x350: {  	[hbm4b:s15+s23] =	stream.strided.scatter [tilespmem:s8], [sflag:$0x2], $0x400, s0, s23, $0x38;
	[tilespmem:$0x1C000] =	vst v63  }
0x351: {  	s8 =	sadd.s32 $0x1800, s1;
	s15 =	sadd.s32 $0x180, s31  }
0x352: {  	[hbm4b:s15+s23] =	stream.strided.scatter [tilespmem:s8], [sflag:$0x2], $0x400, s0, s23, $0x38;
	[tilespmem:$0x1C000] =	vst v63  }
0x353: {  	s15 =	sadd.s32 $0x1C00, s1;
	s1 =	sadd.s32 $0x1C0, s31;
	s31 =	sadd.s32 $0x1000, s31  }
0x354: {  	[hbm4b:s1+s23] =	stream.strided.scatter [tilespmem:s15], [sflag:$0x2], $0x400, s0, s23, $0x38;
	[tilespmem:$0x1C000] =	vst v63  }
0x355: {  	s8 =	simm.s32 $0x0  }
0x356: {  	[hbm4b:s28+s23] =	stream.strided.scatter [tilespmem:s8], [sflag:$0x2], $0x400, s0, s23, $0x38;
	[tilespmem:$0x1C000] =	vst v63  }
0x357: {  	s13 =	simm.s32 $0x400;
	s8 =	sadd.s32 $0x40, s28  }
0x358: {  	[hbm4b:s8+s23] =	stream.strided.scatter [tilespmem:s13], [sflag:$0x2], $0x400, s0, s23, $0x38;
	[tilespmem:$0x1C000] =	vst v63  }
0x359: {  	s15 =	simm.s32 $0x800;
	s29 =	sadd.s32 $0x80, s28  }
0x35a: {  	[hbm4b:s29+s23] =	stream.strided.scatter [tilespmem:s15], [sflag:$0x2], $0x400, s0, s23, $0x38;
	[tilespmem:$0x1C000] =	vst v63  }
0x35b: {  	s8 =	simm.s32 $0xC00;
	s13 =	sadd.s32 $0xC0, s28  }
0x35c: {  	[hbm4b:s13+s23] =	stream.strided.scatter [tilespmem:s8], [sflag:$0x2], $0x400, s0, s23, $0x38;
	[tilespmem:$0x1C000] =	vst v63  }
0x35d: {  	s15 =	simm.s32 $0x1000;
	s29 =	sadd.s32 $0x100, s28  }
0x35e: {  	[hbm4b:s29+s23] =	stream.strided.scatter [tilespmem:s15], [sflag:$0x2], $0x400, s0, s23, $0x38;
	[tilespmem:$0x1C000] =	vst v63  }
0x35f: {  	s8 =	simm.s32 $0x1400;
	s13 =	sadd.s32 $0x140, s28  }
0x360: {  	[hbm4b:s13+s23] =	stream.strided.scatter [tilespmem:s8], [sflag:$0x2], $0x400, s0, s23, $0x38;
	[tilespmem:$0x1C000] =	vst v63  }
0x361: {  	s1 =	sadd.s32 $0x1C0, s28;
	s15 =	simm.s32 $0x1800;
	s29 =	sadd.s32 $0x180, s28  }
0x362: {  	[hbm4b:s29+s23] =	stream.strided.scatter [tilespmem:s15], [sflag:$0x2], $0x400, s0, s23, $0x38;
	[tilespmem:$0x1C000] =	vst v63  }
0x363: {  	s31 =	sadd.s32 $0x1000, s28;
	s13 =	simm.s32 $0x8000;
	s15 =	simm.s32 $0x1C00  }
.LBB2_43:
0x364: {  	[hbm4b:s1+s23] =	stream.strided.scatter [tilespmem:s15], [sflag:$0x2], $0x400, s0, s23, $0x38;
	[tilespmem:$0x1C000] =	vst v63  }
0x365: {  	s1 =	sshra.s32 s13, $0x2;
	p1 =	sne.s32 s13, $0x18000;
	s13 =	sadd.s32 $0x8000, s13  }
0x366: {  	[hbm4b:s31+s23] =	stream.strided.scatter [tilespmem:s1], [sflag:$0x2], $0x400, s0, s23, $0x38;
	[tilespmem:$0x1C000] =	vst v63  }
0x367: {  	s15 =	sadd.s32 $0x40, s31;
	s8 =	sadd.s32 $0x400, s1  }
0x368: {  	[hbm4b:s15+s23] =	stream.strided.scatter [tilespmem:s8], [sflag:$0x2], $0x400, s0, s23, $0x38;
	[tilespmem:$0x1C000] =	vst v63  }
0x369: {  	s8 =	sadd.s32 $0x800, s1;
	s15 =	sadd.s32 $0x80, s31  }
0x36a: {  	[hbm4b:s15+s23] =	stream.strided.scatter [tilespmem:s8], [sflag:$0x2], $0x400, s0, s23, $0x38;
	[tilespmem:$0x1C000] =	vst v63  }
0x36b: {  	s8 =	sadd.s32 $0xC00, s1;
	s15 =	sadd.s32 $0xC0, s31  }
0x36c: {  	[hbm4b:s15+s23] =	stream.strided.scatter [tilespmem:s8], [sflag:$0x2], $0x400, s0, s23, $0x38;
	[tilespmem:$0x1C000] =	vst v63  }
0x36d: {  	s8 =	sadd.s32 $0x1000, s1;
	s15 =	sadd.s32 $0x100, s31  }
0x36e: {  	[hbm4b:s15+s23] =	stream.strided.scatter [tilespmem:s8], [sflag:$0x2], $0x400, s0, s23, $0x38;
	[tilespmem:$0x1C000] =	vst v63  }
.Ltmp21:
0x36f: {  	s8 =	sadd.s32 $0x1400, s1;
	s15 =	sadd.s32 $0x140, s31;
	(pc) =	sbr.rel @p1 .LBB2_43-.Ltmp21, $4  }
0x370: {  	[hbm4b:s15+s23] =	stream.strided.scatter [tilespmem:s8], [sflag:$0x2], $0x400, s0, s23, $0x38;
	[tilespmem:$0x1C000] =	vst v63  }
0x371: {  	s8 =	sadd.s32 $0x1800, s1;
	s15 =	sadd.s32 $0x180, s31  }
0x372: {  	[hbm4b:s15+s23] =	stream.strided.scatter [tilespmem:s8], [sflag:$0x2], $0x400, s0, s23, $0x38;
	[tilespmem:$0x1C000] =	vst v63  }
0x373: {  	s15 =	sadd.s32 $0x1C00, s1;
	s1 =	sadd.s32 $0x1C0, s31;
	s31 =	sadd.s32 $0x1000, s31  }
0x374: {  	[hbm4b:s1+s23] =	stream.strided.scatter [tilespmem:s15], [sflag:$0x2], $0x400, s0, s23, $0x38;
	[tilespmem:$0x1C000] =	vst v63  }
0x375: {  	_ =	swait.ge [sflag:s3], $0xE000  }
0x376: {  	[sflag:s3] =	ssyncset.done $0x0  }
0x377: {  	[sflag:s3] =	ssyncadd.s32 $0xFFFF2000  }
0x378: {  	_ =	swait.ge [sflag:s3], $0xE000  }
0x379: {  	[sflag:s3] =	ssyncset.done $0x0  }
0x37a: {  	[sflag:s3] =	ssyncadd.s32 $0xFFFF2000  }
0x37b: {  	_ =	swait.ge [sflag:s3], $0xE000  }
0x37c: {  	[sflag:s3] =	ssyncset.done $0x0  }
0x37d: {  	[sflag:s3] =	ssyncadd.s32 $0xFFFF2000  }
0x37e: {  	_ =	swait.ge [sflag:s3], $0xE000  }
0x37f: {  	[sflag:s3] =	ssyncset.done $0x0  }
0x380: {  	[sflag:s3] =	ssyncadd.s32 $0xFFFF2000  }
0x381: {  	_ =	swait.ge [sflag:s2], $0x8000  }
0x382: {  	[sflag:s2] =	ssyncset.done $0x0  }
0x383: {  	[sflag:s2] =	ssyncadd.s32 $0xFFFF8000  }
0x384: {  	_ =	swait.ge [sflag:s2], $0x8000  }
0x385: {  	[sflag:s2] =	ssyncset.done $0x0  }
0x386: {  	[sflag:s2] =	ssyncadd.s32 $0xFFFF8000  }
0x387: {  	_ =	swait.ge [sflag:s2], $0x8000  }
0x388: {  	[sflag:s2] =	ssyncset.done $0x0  }
0x389: {  	[sflag:s2] =	ssyncadd.s32 $0xFFFF8000  }
0x38a: {  	_ =	swait.ge [sflag:s2], $0x8000  }
0x38b: {  	s8 =	rddreg [dreg:$0x9]  }
0x38c: {  	s31 =	rddreg [dreg:$0x8];
	s8 =	sadd.s32 $0x1, s8  }
0x38d: {  	p1 =	sne.s32 s8, s31  }
.Ltmp22:
0x38e: {  	_ = 	snop;
	(pc) =	sbr.rel @p1 .LBB2_1-.Ltmp22, $3  }
0x38f: {  	_ =	sdelay $0x1  }
0x390: {  	[sflag:s2] =	ssyncset.done $0x0  }
0x391: {  	[sflag:s2] =	ssyncadd.s32 $0xFFFF8000  }
0x392: {  	_ =	sfence.sel $0x180000  }
0x393: {  	[bflag:$0x0] =	sbarrier.arrive $0xFFFF  }
0x394: {  	_ =	strace $0x90000047  }
0x395: {  	s0 =	stileid.u32;
	[bflag:$0x2] =	sbarrier.arrive $0xFFFF  }
0x396: {  	p0 =	sne.s32 s0, $0x0;
	s0 =	rddreg [dreg:$0x2]  }
0x397: {  	s0 =	sadd.s32 @!p0 $0x100000, s0  }
0x398: {  	[sflag:s0] =	ssyncadd.tile.s32 @!p0 $0x1;
	_ =	shalt  }
.Lfunc_end2:
_tile_overlayer_lowered:
.L_overlay_start_2:
0x399: {  	(tag) =	ssettag $0x2  }
0x39a: {  	s0 =	rddreg [dreg:$0x0];
	s2 =	stileid.u32  }
0x39b: {  	s1 =	rddreg [dreg:$0x1];
	p0 =	sne.s32 s2, $0x0  }
0x39c: {  	s3 =	rddreg [dreg:$0x2];
	[bflag:$0x3] =	sbarrier.arrive $0xFFFF;
	s2 =	simm.s32 @!p0 $0x1C04  }
0x39d: {  	[timem:s3], [sflag:s2] =	dma.local @!p0 [hbm:s0], s1  }
0x39e: {  	s0 =	simm.s32 @!p0 $0x4  }
0x39f: {  	_ =	swait.ge @!p0 [sflag:s0], s1  }
0x3a0: {  	s1 =	ssub.s32 @!p0 $0x0, s1;
	[sflag:s0] =	ssyncset.done @!p0 $0x0  }
0x3a1: {  	[sflag:s0] =	ssyncadd.s32 @!p0 s1  }
0x3a2: {  	[bflag:$0x3] =	sbarrier.arrive $0xFFFF  }
0x3a3: {  	_ =	shalt  }

</sc_bundles>
